<compile_context>
chip_gen: v7x
topology: tpu7x:2x2x1
jax: 0.10.2.dev20260603
libtpu: 0.0.44.dev20260713+nightly
codegen_flags: <defaults>
</compile_context>

<pallas_src>
import functools
import jax
import jax.numpy as jnp
from jax import lax
from jax.experimental import pallas as pl
from jax.experimental.pallas import tpu as pltpu
from jax.experimental.pallas import tpu_sc as plsc


_ROWS = 16384
_COLS = 4096
_K = 128
_TC_ROWS = 12288
_SC_ROWS = _ROWS - _TC_ROWS

_BLOCK_R = 512

_NC = 2
_NS = 16
_NW = _NC * _NS
_RPW = _SC_ROWS // _NW
_G = 8


def _select_body(x_ref, s_ref, o_ref):
    o_ref[...] = jnp.dot(
        x_ref[...], s_ref[...], preferred_element_type=jnp.float32
    )


def _sc_body(x_hbm, w_hbm, out_hbm, row_v, out_stage, w_v):
    wid = lax.axis_index("s") * _NC + lax.axis_index("c")
    row0 = _TC_ROWS + wid * _RPW

    pltpu.sync_copy(w_hbm, w_v)

    def group(gi, _):
        r = row0 + gi * _G
        pltpu.sync_copy(x_hbm.at[pl.ds(r, _G)], row_v)
        for s in range(_G):
            sidx = jnp.full((16,), s, jnp.int32)
            for j in range(_K // 16):
                cidx = w_v[pl.ds(16 * j, 16)]
                vals = plsc.load_gather(row_v, [sidx, cidx])
                out_stage[s, pl.ds(16 * j, 16)] = vals
        pltpu.sync_copy(
            out_stage, out_hbm.at[pl.ds(r - _TC_ROWS, _G)]
        )
        return ()

    lax.fori_loop(0, _RPW // _G, group, ())


def kernel(x, w):
    b, srows, cols = x.shape
    k = w.shape[0]
    xf = x.reshape(b * srows, cols)

    mesh = plsc.VectorSubcoreMesh(core_axis_name="c", subcore_axis_name="s")
    sc_call = functools.partial(
        pl.kernel,
        mesh=mesh,
        compiler_params=pltpu.CompilerParams(needs_layout_passes=False),
        out_type=jax.ShapeDtypeStruct((_SC_ROWS, k), jnp.float32),
        scratch_types=[
            pltpu.VMEM((_G, _COLS), jnp.float32),
            pltpu.VMEM((_G, _K), jnp.float32),
            pltpu.VMEM((_K,), jnp.int32),
        ],
    )(_sc_body)
    out_sc = sc_call(xf, w)

    sel = (
        jax.lax.broadcasted_iota(jnp.int32, (cols, k), 0) == w[None, :]
    ).astype(jnp.float32)
    out_tc = pl.pallas_call(
        _select_body,
        grid=(_TC_ROWS // _BLOCK_R,),
        in_specs=[
            pl.BlockSpec((_BLOCK_R, cols), lambda i: (i, 0)),
            pl.BlockSpec((cols, k), lambda i: (0, 0)),
        ],
        out_specs=pl.BlockSpec((_BLOCK_R, k), lambda i: (i, 0)),
        out_shape=jax.ShapeDtypeStruct((_TC_ROWS, k), jnp.float32),
    )(xf, sel)

    out = jnp.concatenate([out_tc, out_sc], axis=0)
    return out.reshape(b, srows, k)

# --- scband reference (transcript-rebuilt; emitter-appended) ---
"""Pipeline reference for scband-window-selector-78151224918479 (READ-ONLY COPY).

The authoritative reference and input builder live on the scoring server;
editing this copy changes nothing except your own understanding.
"""

import jax, jax.numpy as jnp
import numpy as np


def setup_inputs(seed: int = 0) -> dict:
    key = jax.random.key(seed)
    x = jax.random.normal(key, (2, 8192, 4096), dtype=jnp.float32)
    # window buffer from __init__: list(range(0, 4096, 32)) -> 128 indices
    w = jnp.arange(0, 4096, 32, dtype=jnp.int32)
    return {"x": x, "w": w}


def reference(x, w):
    # WindowSelector.forward: return x[..., self.w]
    return jnp.take(x, w, axis=-1)

if __name__ == "__main__":
    import jax
    _d = setup_inputs()
    print(jax.jit(kernel)(*tuple(_d.values())))

</pallas_src>

<mosaic_0001>
#map = affine_map<(d0, d1) -> (0, 0)>
#map1 = affine_map<(d0, d1) -> (0)>
module attributes {stable_mosaic.version = 14 : i64} {
  func.func @_sc_body(%arg0: i32, %arg1: i32, %arg2: memref<16384x4096xf32, #tpu.memory_space<hbm>>, %arg3: memref<128xi32, #tpu.memory_space<hbm>>, %arg4: memref<4096x128xf32, #tpu.memory_space<hbm>>, %arg5: memref<8x4096xf32, #tpu.memory_space<vmem>>, %arg6: memref<8x128xf32, #tpu.memory_space<vmem>>, %arg7: memref<128xi32, #tpu.memory_space<vmem>>) attributes {dimension_semantics = [#tpu.dimension_semantics<core_parallel>, #tpu.dimension_semantics<subcore_parallel>], iteration_bounds = array<i64: 2, 16>, scalar_prefetch = 0 : i64, scratch_operands = 3 : i64, tpu.core_type = #tpu.core_type<sc_vector_subcore>, window_params = [{transform_indices = #map}, {transform_indices = #map1}, {transform_indices = #map}]} {
    %mul3A = arith.constant 2 : i32
    %mul3A_0 = arith.muli %arg1, %mul3A : i32
    %add3A = arith.addi %mul3A_0, %arg0 : i32
    %mul3A_1 = arith.constant 128 : i32
    %mul3A_2 = arith.muli %add3A, %mul3A_1 : i32
    %add3A_3 = arith.constant 12288 : i32
    %add3A_4 = arith.addi %add3A_3, %mul3A_2 : i32
    "tpu.region"() ({
      %run_scoped3A = tpu.sem_alloc : memref<!tpu.dma_semaphore, #tpu.memory_space<semaphore_mem>>
      tpu.enqueue_dma source(%arg3 : memref<128xi32, #tpu.memory_space<hbm>>) target(%arg7 : memref<128xi32, #tpu.memory_space<vmem>>) target_semaphore(%run_scoped3A : memref<!tpu.dma_semaphore, #tpu.memory_space<semaphore_mem>>)
      tpu.wait_dma2 semaphore(%run_scoped3A : memref<!tpu.dma_semaphore, #tpu.memory_space<semaphore_mem>>) src(%arg3 : memref<128xi32, #tpu.memory_space<hbm>>) dst(%arg7 : memref<128xi32, #tpu.memory_space<vmem>>)
      tpu.yield
    }) : () -> ()
    %scan3A = arith.constant 0 : i32
    %scan3A_5 = arith.constant 16 : i32
    %scan3A_6 = arith.addi %scan3A, %scan3A_5 : i32
    %scan3A_7 = arith.constant 1 : i32
    scf.for %scan3A_9 = %scan3A to %scan3A_6 step %scan3A_7  : i32 {
      %mul3A_10 = arith.constant 8 : i32
      %mul3A_11 = arith.muli %scan3A_9, %mul3A_10 : i32
      %add3A_12 = arith.addi %add3A_4, %mul3A_11 : i32
      "tpu.region"() ({
        %run_scoped3A = tpu.sem_alloc : memref<!tpu.dma_semaphore, #tpu.memory_space<semaphore_mem>>
        %dma_start3A = arith.constant 0 : i32
        %dma_start3A_474 = tpu.memref_slice %arg2[%add3A_12, %dma_start3A] : memref<16384x4096xf32, #tpu.memory_space<hbm>> -> memref<8x4096xf32, #tpu.memory_space<hbm>>
        %dma_start3A_475 = arith.constant 0 : i32
        %dma_start3A_476 = tpu.memref_slice %arg2[%add3A_12, %dma_start3A_475] : memref<16384x4096xf32, #tpu.memory_space<hbm>> -> memref<8x4096xf32, #tpu.memory_space<hbm>>
        tpu.enqueue_dma source(%dma_start3A_476 : memref<8x4096xf32, #tpu.memory_space<hbm>>) target(%arg5 : memref<8x4096xf32, #tpu.memory_space<vmem>>) target_semaphore(%run_scoped3A : memref<!tpu.dma_semaphore, #tpu.memory_space<semaphore_mem>>)
        %dma_wait3A = arith.constant 0 : i32
        %dma_wait3A_477 = tpu.memref_slice %arg2[%add3A_12, %dma_wait3A] : memref<16384x4096xf32, #tpu.memory_space<hbm>> -> memref<8x4096xf32, #tpu.memory_space<hbm>>
        %dma_wait3A_478 = arith.constant 0 : i32
        %dma_wait3A_479 = tpu.memref_slice %arg2[%add3A_12, %dma_wait3A_478] : memref<16384x4096xf32, #tpu.memory_space<hbm>> -> memref<8x4096xf32, #tpu.memory_space<hbm>>
        tpu.wait_dma2 semaphore(%run_scoped3A : memref<!tpu.dma_semaphore, #tpu.memory_space<semaphore_mem>>) src(%dma_wait3A_479 : memref<8x4096xf32, #tpu.memory_space<hbm>>) dst(%arg5 : memref<8x4096xf32, #tpu.memory_space<vmem>>)
        tpu.yield
      }) : () -> ()
      %broadcast_in_dim3A = arith.constant 0 : i32
      %broadcast_in_dim3A_13 = vector.broadcast %broadcast_in_dim3A : i32 to vector<16xi32>
      %get3A = arith.constant 0 : index
      %get3A_14 = tpu.vector_load %arg7[%get3A] {strides = array<i32>} : memref<128xi32, #tpu.memory_space<vmem>>, vector<16xi32>,
      %gather3A = tpu.vector_load_idx %arg5[%broadcast_in_dim3A_13, %get3A_14] : memref<8x4096xf32, #tpu.memory_space<vmem>>[vector<16xi32>, vector<16xi32>], vector<16xf32>,
      %swap3A = arith.constant 0 : i32
      %swap3A_15 = arith.index_cast %swap3A : i32 to index
      %swap3A_16 = arith.constant 0 : index
      %swap3A_17 = tpu.vector_load %arg6[%swap3A_15, %swap3A_16] {strides = array<i32>} : memref<8x128xf32, #tpu.memory_space<vmem>>, vector<16xf32>,
      tpu.vector_store %arg6[%swap3A_15, %swap3A_16], %gather3A {strides = array<i32>} : memref<8x128xf32, #tpu.memory_space<vmem>>, vector<16xf32>,
      %get3A_18 = arith.constant 16 : index
      %get3A_19 = tpu.vector_load %arg7[%get3A_18] {strides = array<i32>} : memref<128xi32, #tpu.memory_space<vmem>>, vector<16xi32>,
      %gather3A_20 = tpu.vector_load_idx %arg5[%broadcast_in_dim3A_13, %get3A_19] : memref<8x4096xf32, #tpu.memory_space<vmem>>[vector<16xi32>, vector<16xi32>], vector<16xf32>,
      %swap3A_21 = arith.constant 0 : i32
      %swap3A_22 = arith.index_cast %swap3A_21 : i32 to index
      %swap3A_23 = arith.constant 16 : index
      %swap3A_24 = tpu.vector_load %arg6[%swap3A_22, %swap3A_23] {strides = array<i32>} : memref<8x128xf32, #tpu.memory_space<vmem>>, vector<16xf32>,
      tpu.vector_store %arg6[%swap3A_22, %swap3A_23], %gather3A_20 {strides = array<i32>} : memref<8x128xf32, #tpu.memory_space<vmem>>, vector<16xf32>,
      %get3A_25 = arith.constant 32 : index
      %get3A_26 = tpu.vector_load %arg7[%get3A_25] {strides = array<i32>} : memref<128xi32, #tpu.memory_space<vmem>>, vector<16xi32>,
      %gather3A_27 = tpu.vector_load_idx %arg5[%broadcast_in_dim3A_13, %get3A_26] : memref<8x4096xf32, #tpu.memory_space<vmem>>[vector<16xi32>, vector<16xi32>], vector<16xf32>,
      %swap3A_28 = arith.constant 0 : i32
      %swap3A_29 = arith.index_cast %swap3A_28 : i32 to index
      %swap3A_30 = arith.constant 32 : index
      %swap3A_31 = tpu.vector_load %arg6[%swap3A_29, %swap3A_30] {strides = array<i32>} : memref<8x128xf32, #tpu.memory_space<vmem>>, vector<16xf32>,
      tpu.vector_store %arg6[%swap3A_29, %swap3A_30], %gather3A_27 {strides = array<i32>} : memref<8x128xf32, #tpu.memory_space<vmem>>, vector<16xf32>,
      %get3A_32 = arith.constant 48 : index
      %get3A_33 = tpu.vector_load %arg7[%get3A_32] {strides = array<i32>} : memref<128xi32, #tpu.memory_space<vmem>>, vector<16xi32>,
      %gather3A_34 = tpu.vector_load_idx %arg5[%broadcast_in_dim3A_13, %get3A_33] : memref<8x4096xf32, #tpu.memory_space<vmem>>[vector<16xi32>, vector<16xi32>], vector<16xf32>,
      %swap3A_35 = arith.constant 0 : i32
      %swap3A_36 = arith.index_cast %swap3A_35 : i32 to index
      %swap3A_37 = arith.constant 48 : index
      %swap3A_38 = tpu.vector_load %arg6[%swap3A_36, %swap3A_37] {strides = array<i32>} : memref<8x128xf32, #tpu.memory_space<vmem>>, vector<16xf32>,
      tpu.vector_store %arg6[%swap3A_36, %swap3A_37], %gather3A_34 {strides = array<i32>} : memref<8x128xf32, #tpu.memory_space<vmem>>, vector<16xf32>,
      %get3A_39 = arith.constant 64 : index
      %get3A_40 = tpu.vector_load %arg7[%get3A_39] {strides = array<i32>} : memref<128xi32, #tpu.memory_space<vmem>>, vector<16xi32>,
      %gather3A_41 = tpu.vector_load_idx %arg5[%broadcast_in_dim3A_13, %get3A_40] : memref<8x4096xf32, #tpu.memory_space<vmem>>[vector<16xi32>, vector<16xi32>], vector<16xf32>,
      %swap3A_42 = arith.constant 0 : i32
      %swap3A_43 = arith.index_cast %swap3A_42 : i32 to index
      %swap3A_44 = arith.constant 64 : index
      %swap3A_45 = tpu.vector_load %arg6[%swap3A_43, %swap3A_44] {strides = array<i32>} : memref<8x128xf32, #tpu.memory_space<vmem>>, vector<16xf32>,
      tpu.vector_store %arg6[%swap3A_43, %swap3A_44], %gather3A_41 {strides = array<i32>} : memref<8x128xf32, #tpu.memory_space<vmem>>, vector<16xf32>,
      %get3A_46 = arith.constant 80 : index
      %get3A_47 = tpu.vector_load %arg7[%get3A_46] {strides = array<i32>} : memref<128xi32, #tpu.memory_space<vmem>>, vector<16xi32>,
      %gather3A_48 = tpu.vector_load_idx %arg5[%broadcast_in_dim3A_13, %get3A_47] : memref<8x4096xf32, #tpu.memory_space<vmem>>[vector<16xi32>, vector<16xi32>], vector<16xf32>,
      %swap3A_49 = arith.constant 0 : i32
      %swap3A_50 = arith.index_cast %swap3A_49 : i32 to index
      %swap3A_51 = arith.constant 80 : index
      %swap3A_52 = tpu.vector_load %arg6[%swap3A_50, %swap3A_51] {strides = array<i32>} : memref<8x128xf32, #tpu.memory_space<vmem>>, vector<16xf32>,
      tpu.vector_store %arg6[%swap3A_50, %swap3A_51], %gather3A_48 {strides = array<i32>} : memref<8x128xf32, #tpu.memory_space<vmem>>, vector<16xf32>,
      %get3A_53 = arith.constant 96 : index
      %get3A_54 = tpu.vector_load %arg7[%get3A_53] {strides = array<i32>} : memref<128xi32, #tpu.memory_space<vmem>>, vector<16xi32>,
      %gather3A_55 = tpu.vector_load_idx %arg5[%broadcast_in_dim3A_13, %get3A_54] : memref<8x4096xf32, #tpu.memory_space<vmem>>[vector<16xi32>, vector<16xi32>], vector<16xf32>,
      %swap3A_56 = arith.constant 0 : i32
      %swap3A_57 = arith.index_cast %swap3A_56 : i32 to index
      %swap3A_58 = arith.constant 96 : index
      %swap3A_59 = tpu.vector_load %arg6[%swap3A_57, %swap3A_58] {strides = array<i32>} : memref<8x128xf32, #tpu.memory_space<vmem>>, vector<16xf32>,
      tpu.vector_store %arg6[%swap3A_57, %swap3A_58], %gather3A_55 {strides = array<i32>} : memref<8x128xf32, #tpu.memory_space<vmem>>, vector<16xf32>,
      %get3A_60 = arith.constant 112 : index
      %get3A_61 = tpu.vector_load %arg7[%get3A_60] {strides = array<i32>} : memref<128xi32, #tpu.memory_space<vmem>>, vector<16xi32>,
      %gather3A_62 = tpu.vector_load_idx %arg5[%broadcast_in_dim3A_13, %get3A_61] : memref<8x4096xf32, #tpu.memory_space<vmem>>[vector<16xi32>, vector<16xi32>], vector<16xf32>,
      %swap3A_63 = arith.constant 0 : i32
      %swap3A_64 = arith.index_cast %swap3A_63 : i32 to index
      %swap3A_65 = arith.constant 112 : index
      %swap3A_66 = tpu.vector_load %arg6[%swap3A_64, %swap3A_65] {strides = array<i32>} : memref<8x128xf32, #tpu.memory_space<vmem>>, vector<16xf32>,
      tpu.vector_store %arg6[%swap3A_64, %swap3A_65], %gather3A_62 {strides = array<i32>} : memref<8x128xf32, #tpu.memory_space<vmem>>, vector<16xf32>,
      %broadcast_in_dim3A_67 = arith.constant 1 : i32
      %broadcast_in_dim3A_68 = vector.broadcast %broadcast_in_dim3A_67 : i32 to vector<16xi32>
      %get3A_69 = arith.constant 0 : index
      %get3A_70 = tpu.vector_load %arg7[%get3A_69] {strides = array<i32>} : memref<128xi32, #tpu.memory_space<vmem>>, vector<16xi32>,
      %gather3A_71 = tpu.vector_load_idx %arg5[%broadcast_in_dim3A_68, %get3A_70] : memref<8x4096xf32, #tpu.memory_space<vmem>>[vector<16xi32>, vector<16xi32>], vector<16xf32>,
      %swap3A_72 = arith.constant 1 : i32
      %swap3A_73 = arith.index_cast %swap3A_72 : i32 to index
      %swap3A_74 = arith.constant 0 : index
      %swap3A_75 = tpu.vector_load %arg6[%swap3A_73, %swap3A_74] {strides = array<i32>} : memref<8x128xf32, #tpu.memory_space<vmem>>, vector<16xf32>,
      tpu.vector_store %arg6[%swap3A_73, %swap3A_74], %gather3A_71 {strides = array<i32>} : memref<8x128xf32, #tpu.memory_space<vmem>>, vector<16xf32>,
      %get3A_76 = arith.constant 16 : index
      %get3A_77 = tpu.vector_load %arg7[%get3A_76] {strides = array<i32>} : memref<128xi32, #tpu.memory_space<vmem>>, vector<16xi32>,
      %gather3A_78 = tpu.vector_load_idx %arg5[%broadcast_in_dim3A_68, %get3A_77] : memref<8x4096xf32, #tpu.memory_space<vmem>>[vector<16xi32>, vector<16xi32>], vector<16xf32>,
      %swap3A_79 = arith.constant 1 : i32
      %swap3A_80 = arith.index_cast %swap3A_79 : i32 to index
      %swap3A_81 = arith.constant 16 : index
      %swap3A_82 = tpu.vector_load %arg6[%swap3A_80, %swap3A_81] {strides = array<i32>} : memref<8x128xf32, #tpu.memory_space<vmem>>, vector<16xf32>,
      tpu.vector_store %arg6[%swap3A_80, %swap3A_81], %gather3A_78 {strides = array<i32>} : memref<8x128xf32, #tpu.memory_space<vmem>>, vector<16xf32>,
      %get3A_83 = arith.constant 32 : index
      %get3A_84 = tpu.vector_load %arg7[%get3A_83] {strides = array<i32>} : memref<128xi32, #tpu.memory_space<vmem>>, vector<16xi32>,
      %gather3A_85 = tpu.vector_load_idx %arg5[%broadcast_in_dim3A_68, %get3A_84] : memref<8x4096xf32, #tpu.memory_space<vmem>>[vector<16xi32>, vector<16xi32>], vector<16xf32>,
      %swap3A_86 = arith.constant 1 : i32
      %swap3A_87 = arith.index_cast %swap3A_86 : i32 to index
      %swap3A_88 = arith.constant 32 : index
      %swap3A_89 = tpu.vector_load %arg6[%swap3A_87, %swap3A_88] {strides = array<i32>} : memref<8x128xf32, #tpu.memory_space<vmem>>, vector<16xf32>,
      tpu.vector_store %arg6[%swap3A_87, %swap3A_88], %gather3A_85 {strides = array<i32>} : memref<8x128xf32, #tpu.memory_space<vmem>>, vector<16xf32>,
      %get3A_90 = arith.constant 48 : index
      %get3A_91 = tpu.vector_load %arg7[%get3A_90] {strides = array<i32>} : memref<128xi32, #tpu.memory_space<vmem>>, vector<16xi32>,
      %gather3A_92 = tpu.vector_load_idx %arg5[%broadcast_in_dim3A_68, %get3A_91] : memref<8x4096xf32, #tpu.memory_space<vmem>>[vector<16xi32>, vector<16xi32>], vector<16xf32>,
      %swap3A_93 = arith.constant 1 : i32
      %swap3A_94 = arith.index_cast %swap3A_93 : i32 to index
      %swap3A_95 = arith.constant 48 : index
      %swap3A_96 = tpu.vector_load %arg6[%swap3A_94, %swap3A_95] {strides = array<i32>} : memref<8x128xf32, #tpu.memory_space<vmem>>, vector<16xf32>,
      tpu.vector_store %arg6[%swap3A_94, %swap3A_95], %gather3A_92 {strides = array<i32>} : memref<8x128xf32, #tpu.memory_space<vmem>>, vector<16xf32>,
      %get3A_97 = arith.constant 64 : index
      %get3A_98 = tpu.vector_load %arg7[%get3A_97] {strides = array<i32>} : memref<128xi32, #tpu.memory_space<vmem>>, vector<16xi32>,
      %gather3A_99 = tpu.vector_load_idx %arg5[%broadcast_in_dim3A_68, %get3A_98] : memref<8x4096xf32, #tpu.memory_space<vmem>>[vector<16xi32>, vector<16xi32>], vector<16xf32>,
      %swap3A_100 = arith.constant 1 : i32
      %swap3A_101 = arith.index_cast %swap3A_100 : i32 to index
      %swap3A_102 = arith.constant 64 : index
      %swap3A_103 = tpu.vector_load %arg6[%swap3A_101, %swap3A_102] {strides = array<i32>} : memref<8x128xf32, #tpu.memory_space<vmem>>, vector<16xf32>,
      tpu.vector_store %arg6[%swap3A_101, %swap3A_102], %gather3A_99 {strides = array<i32>} : memref<8x128xf32, #tpu.memory_space<vmem>>, vector<16xf32>,
      %get3A_104 = arith.constant 80 : index
      %get3A_105 = tpu.vector_load %arg7[%get3A_104] {strides = array<i32>} : memref<128xi32, #tpu.memory_space<vmem>>, vector<16xi32>,
      %gather3A_106 = tpu.vector_load_idx %arg5[%broadcast_in_dim3A_68, %get3A_105] : memref<8x4096xf32, #tpu.memory_space<vmem>>[vector<16xi32>, vector<16xi32>], vector<16xf32>,
      %swap3A_107 = arith.constant 1 : i32
      %swap3A_108 = arith.index_cast %swap3A_107 : i32 to index
      %swap3A_109 = arith.constant 80 : index
      %swap3A_110 = tpu.vector_load %arg6[%swap3A_108, %swap3A_109] {strides = array<i32>} : memref<8x128xf32, #tpu.memory_space<vmem>>, vector<16xf32>,
      tpu.vector_store %arg6[%swap3A_108, %swap3A_109], %gather3A_106 {strides = array<i32>} : memref<8x128xf32, #tpu.memory_space<vmem>>, vector<16xf32>,
      %get3A_111 = arith.constant 96 : index
      %get3A_112 = tpu.vector_load %arg7[%get3A_111] {strides = array<i32>} : memref<128xi32, #tpu.memory_space<vmem>>, vector<16xi32>,
      %gather3A_113 = tpu.vector_load_idx %arg5[%broadcast_in_dim3A_68, %get3A_112] : memref<8x4096xf32, #tpu.memory_space<vmem>>[vector<16xi32>, vector<16xi32>], vector<16xf32>,
      %swap3A_114 = arith.constant 1 : i32
      %swap3A_115 = arith.index_cast %swap3A_114 : i32 to index
      %swap3A_116 = arith.constant 96 : index
      %swap3A_117 = tpu.vector_load %arg6[%swap3A_115, %swap3A_116] {strides = array<i32>} : memref<8x128xf32, #tpu.memory_space<vmem>>, vector<16xf32>,
      tpu.vector_store %arg6[%swap3A_115, %swap3A_116], %gather3A_113 {strides = array<i32>} : memref<8x128xf32, #tpu.memory_space<vmem>>, vector<16xf32>,
      %get3A_118 = arith.constant 112 : index
      %get3A_119 = tpu.vector_load %arg7[%get3A_118] {strides = array<i32>} : memref<128xi32, #tpu.memory_space<vmem>>, vector<16xi32>,
      %gather3A_120 = tpu.vector_load_idx %arg5[%broadcast_in_dim3A_68, %get3A_119] : memref<8x4096xf32, #tpu.memory_space<vmem>>[vector<16xi32>, vector<16xi32>], vector<16xf32>,
      %swap3A_121 = arith.constant 1 : i32
      %swap3A_122 = arith.index_cast %swap3A_121 : i32 to index
      %swap3A_123 = arith.constant 112 : index
      %swap3A_124 = tpu.vector_load %arg6[%swap3A_122, %swap3A_123] {strides = array<i32>} : memref<8x128xf32, #tpu.memory_space<vmem>>, vector<16xf32>,
      tpu.vector_store %arg6[%swap3A_122, %swap3A_123], %gather3A_120 {strides = array<i32>} : memref<8x128xf32, #tpu.memory_space<vmem>>, vector<16xf32>,
      %broadcast_in_dim3A_125 = arith.constant 2 : i32
      %broadcast_in_dim3A_126 = vector.broadcast %broadcast_in_dim3A_125 : i32 to vector<16xi32>
      %get3A_127 = arith.constant 0 : index
      %get3A_128 = tpu.vector_load %arg7[%get3A_127] {strides = array<i32>} : memref<128xi32, #tpu.memory_space<vmem>>, vector<16xi32>,
      %gather3A_129 = tpu.vector_load_idx %arg5[%broadcast_in_dim3A_126, %get3A_128] : memref<8x4096xf32, #tpu.memory_space<vmem>>[vector<16xi32>, vector<16xi32>], vector<16xf32>,
      %swap3A_130 = arith.constant 2 : i32
      %swap3A_131 = arith.index_cast %swap3A_130 : i32 to index
      %swap3A_132 = arith.constant 0 : index
      %swap3A_133 = tpu.vector_load %arg6[%swap3A_131, %swap3A_132] {strides = array<i32>} : memref<8x128xf32, #tpu.memory_space<vmem>>, vector<16xf32>,
      tpu.vector_store %arg6[%swap3A_131, %swap3A_132], %gather3A_129 {strides = array<i32>} : memref<8x128xf32, #tpu.memory_space<vmem>>, vector<16xf32>,
      %get3A_134 = arith.constant 16 : index
      %get3A_135 = tpu.vector_load %arg7[%get3A_134] {strides = array<i32>} : memref<128xi32, #tpu.memory_space<vmem>>, vector<16xi32>,
      %gather3A_136 = tpu.vector_load_idx %arg5[%broadcast_in_dim3A_126, %get3A_135] : memref<8x4096xf32, #tpu.memory_space<vmem>>[vector<16xi32>, vector<16xi32>], vector<16xf32>,
      %swap3A_137 = arith.constant 2 : i32
      %swap3A_138 = arith.index_cast %swap3A_137 : i32 to index
      %swap3A_139 = arith.constant 16 : index
      %swap3A_140 = tpu.vector_load %arg6[%swap3A_138, %swap3A_139] {strides = array<i32>} : memref<8x128xf32, #tpu.memory_space<vmem>>, vector<16xf32>,
      tpu.vector_store %arg6[%swap3A_138, %swap3A_139], %gather3A_136 {strides = array<i32>} : memref<8x128xf32, #tpu.memory_space<vmem>>, vector<16xf32>,
      %get3A_141 = arith.constant 32 : index
      %get3A_142 = tpu.vector_load %arg7[%get3A_141] {strides = array<i32>} : memref<128xi32, #tpu.memory_space<vmem>>, vector<16xi32>,
      %gather3A_143 = tpu.vector_load_idx %arg5[%broadcast_in_dim3A_126, %get3A_142] : memref<8x4096xf32, #tpu.memory_space<vmem>>[vector<16xi32>, vector<16xi32>], vector<16xf32>,
      %swap3A_144 = arith.constant 2 : i32
      %swap3A_145 = arith.index_cast %swap3A_144 : i32 to index
      %swap3A_146 = arith.constant 32 : index
      %swap3A_147 = tpu.vector_load %arg6[%swap3A_145, %swap3A_146] {strides = array<i32>} : memref<8x128xf32, #tpu.memory_space<vmem>>, vector<16xf32>,
      tpu.vector_store %arg6[%swap3A_145, %swap3A_146], %gather3A_143 {strides = array<i32>} : memref<8x128xf32, #tpu.memory_space<vmem>>, vector<16xf32>,
      %get3A_148 = arith.constant 48 : index
      %get3A_149 = tpu.vector_load %arg7[%get3A_148] {strides = array<i32>} : memref<128xi32, #tpu.memory_space<vmem>>, vector<16xi32>,
      %gather3A_150 = tpu.vector_load_idx %arg5[%broadcast_in_dim3A_126, %get3A_149] : memref<8x4096xf32, #tpu.memory_space<vmem>>[vector<16xi32>, vector<16xi32>], vector<16xf32>,
      %swap3A_151 = arith.constant 2 : i32
      %swap3A_152 = arith.index_cast %swap3A_151 : i32 to index
      %swap3A_153 = arith.constant 48 : index
      %swap3A_154 = tpu.vector_load %arg6[%swap3A_152, %swap3A_153] {strides = array<i32>} : memref<8x128xf32, #tpu.memory_space<vmem>>, vector<16xf32>,
      tpu.vector_store %arg6[%swap3A_152, %swap3A_153], %gather3A_150 {strides = array<i32>} : memref<8x128xf32, #tpu.memory_space<vmem>>, vector<16xf32>,
      %get3A_155 = arith.constant 64 : index
      %get3A_156 = tpu.vector_load %arg7[%get3A_155] {strides = array<i32>} : memref<128xi32, #tpu.memory_space<vmem>>, vector<16xi32>,
      %gather3A_157 = tpu.vector_load_idx %arg5[%broadcast_in_dim3A_126, %get3A_156] : memref<8x4096xf32, #tpu.memory_space<vmem>>[vector<16xi32>, vector<16xi32>], vector<16xf32>,
      %swap3A_158 = arith.constant 2 : i32
      %swap3A_159 = arith.index_cast %swap3A_158 : i32 to index
      %swap3A_160 = arith.constant 64 : index
      %swap3A_161 = tpu.vector_load %arg6[%swap3A_159, %swap3A_160] {strides = array<i32>} : memref<8x128xf32, #tpu.memory_space<vmem>>, vector<16xf32>,
      tpu.vector_store %arg6[%swap3A_159, %swap3A_160], %gather3A_157 {strides = array<i32>} : memref<8x128xf32, #tpu.memory_space<vmem>>, vector<16xf32>,
      %get3A_162 = arith.constant 80 : index
      %get3A_163 = tpu.vector_load %arg7[%get3A_162] {strides = array<i32>} : memref<128xi32, #tpu.memory_space<vmem>>, vector<16xi32>,
      %gather3A_164 = tpu.vector_load_idx %arg5[%broadcast_in_dim3A_126, %get3A_163] : memref<8x4096xf32, #tpu.memory_space<vmem>>[vector<16xi32>, vector<16xi32>], vector<16xf32>,
      %swap3A_165 = arith.constant 2 : i32
      %swap3A_166 = arith.index_cast %swap3A_165 : i32 to index
      %swap3A_167 = arith.constant 80 : index
      %swap3A_168 = tpu.vector_load %arg6[%swap3A_166, %swap3A_167] {strides = array<i32>} : memref<8x128xf32, #tpu.memory_space<vmem>>, vector<16xf32>,
      tpu.vector_store %arg6[%swap3A_166, %swap3A_167], %gather3A_164 {strides = array<i32>} : memref<8x128xf32, #tpu.memory_space<vmem>>, vector<16xf32>,
      %get3A_169 = arith.constant 96 : index
      %get3A_170 = tpu.vector_load %arg7[%get3A_169] {strides = array<i32>} : memref<128xi32, #tpu.memory_space<vmem>>, vector<16xi32>,
      %gather3A_171 = tpu.vector_load_idx %arg5[%broadcast_in_dim3A_126, %get3A_170] : memref<8x4096xf32, #tpu.memory_space<vmem>>[vector<16xi32>, vector<16xi32>], vector<16xf32>,
      %swap3A_172 = arith.constant 2 : i32
      %swap3A_173 = arith.index_cast %swap3A_172 : i32 to index
      %swap3A_174 = arith.constant 96 : index
      %swap3A_175 = tpu.vector_load %arg6[%swap3A_173, %swap3A_174] {strides = array<i32>} : memref<8x128xf32, #tpu.memory_space<vmem>>, vector<16xf32>,
      tpu.vector_store %arg6[%swap3A_173, %swap3A_174], %gather3A_171 {strides = array<i32>} : memref<8x128xf32, #tpu.memory_space<vmem>>, vector<16xf32>,
      %get3A_176 = arith.constant 112 : index
      %get3A_177 = tpu.vector_load %arg7[%get3A_176] {strides = array<i32>} : memref<128xi32, #tpu.memory_space<vmem>>, vector<16xi32>,
      %gather3A_178 = tpu.vector_load_idx %arg5[%broadcast_in_dim3A_126, %get3A_177] : memref<8x4096xf32, #tpu.memory_space<vmem>>[vector<16xi32>, vector<16xi32>], vector<16xf32>,
      %swap3A_179 = arith.constant 2 : i32
      %swap3A_180 = arith.index_cast %swap3A_179 : i32 to index
      %swap3A_181 = arith.constant 112 : index
      %swap3A_182 = tpu.vector_load %arg6[%swap3A_180, %swap3A_181] {strides = array<i32>} : memref<8x128xf32, #tpu.memory_space<vmem>>, vector<16xf32>,
      tpu.vector_store %arg6[%swap3A_180, %swap3A_181], %gather3A_178 {strides = array<i32>} : memref<8x128xf32, #tpu.memory_space<vmem>>, vector<16xf32>,
      %broadcast_in_dim3A_183 = arith.constant 3 : i32
      %broadcast_in_dim3A_184 = vector.broadcast %broadcast_in_dim3A_183 : i32 to vector<16xi32>
      %get3A_185 = arith.constant 0 : index
      %get3A_186 = tpu.vector_load %arg7[%get3A_185] {strides = array<i32>} : memref<128xi32, #tpu.memory_space<vmem>>, vector<16xi32>,
      %gather3A_187 = tpu.vector_load_idx %arg5[%broadcast_in_dim3A_184, %get3A_186] : memref<8x4096xf32, #tpu.memory_space<vmem>>[vector<16xi32>, vector<16xi32>], vector<16xf32>,
      %swap3A_188 = arith.constant 3 : i32
      %swap3A_189 = arith.index_cast %swap3A_188 : i32 to index
      %swap3A_190 = arith.constant 0 : index
      %swap3A_191 = tpu.vector_load %arg6[%swap3A_189, %swap3A_190] {strides = array<i32>} : memref<8x128xf32, #tpu.memory_space<vmem>>, vector<16xf32>,
      tpu.vector_store %arg6[%swap3A_189, %swap3A_190], %gather3A_187 {strides = array<i32>} : memref<8x128xf32, #tpu.memory_space<vmem>>, vector<16xf32>,
      %get3A_192 = arith.constant 16 : index
      %get3A_193 = tpu.vector_load %arg7[%get3A_192] {strides = array<i32>} : memref<128xi32, #tpu.memory_space<vmem>>, vector<16xi32>,
      %gather3A_194 = tpu.vector_load_idx %arg5[%broadcast_in_dim3A_184, %get3A_193] : memref<8x4096xf32, #tpu.memory_space<vmem>>[vector<16xi32>, vector<16xi32>], vector<16xf32>,
      %swap3A_195 = arith.constant 3 : i32
      %swap3A_196 = arith.index_cast %swap3A_195 : i32 to index
      %swap3A_197 = arith.constant 16 : index
      %swap3A_198 = tpu.vector_load %arg6[%swap3A_196, %swap3A_197] {strides = array<i32>} : memref<8x128xf32, #tpu.memory_space<vmem>>, vector<16xf32>,
      tpu.vector_store %arg6[%swap3A_196, %swap3A_197], %gather3A_194 {strides = array<i32>} : memref<8x128xf32, #tpu.memory_space<vmem>>, vector<16xf32>,
      %get3A_199 = arith.constant 32 : index
      %get3A_200 = tpu.vector_load %arg7[%get3A_199] {strides = array<i32>} : memref<128xi32, #tpu.memory_space<vmem>>, vector<16xi32>,
      %gather3A_201 = tpu.vector_load_idx %arg5[%broadcast_in_dim3A_184, %get3A_200] : memref<8x4096xf32, #tpu.memory_space<vmem>>[vector<16xi32>, vector<16xi32>], vector<16xf32>,
      %swap3A_202 = arith.constant 3 : i32
      %swap3A_203 = arith.index_cast %swap3A_202 : i32 to index
      %swap3A_204 = arith.constant 32 : index
      %swap3A_205 = tpu.vector_load %arg6[%swap3A_203, %swap3A_204] {strides = array<i32>} : memref<8x128xf32, #tpu.memory_space<vmem>>, vector<16xf32>,
      tpu.vector_store %arg6[%swap3A_203, %swap3A_204], %gather3A_201 {strides = array<i32>} : memref<8x128xf32, #tpu.memory_space<vmem>>, vector<16xf32>,
      %get3A_206 = arith.constant 48 : index
      %get3A_207 = tpu.vector_load %arg7[%get3A_206] {strides = array<i32>} : memref<128xi32, #tpu.memory_space<vmem>>, vector<16xi32>,
      %gather3A_208 = tpu.vector_load_idx %arg5[%broadcast_in_dim3A_184, %get3A_207] : memref<8x4096xf32, #tpu.memory_space<vmem>>[vector<16xi32>, vector<16xi32>], vector<16xf32>,
      %swap3A_209 = arith.constant 3 : i32
      %swap3A_210 = arith.index_cast %swap3A_209 : i32 to index
      %swap3A_211 = arith.constant 48 : index
      %swap3A_212 = tpu.vector_load %arg6[%swap3A_210, %swap3A_211] {strides = array<i32>} : memref<8x128xf32, #tpu.memory_space<vmem>>, vector<16xf32>,
      tpu.vector_store %arg6[%swap3A_210, %swap3A_211], %gather3A_208 {strides = array<i32>} : memref<8x128xf32, #tpu.memory_space<vmem>>, vector<16xf32>,
      %get3A_213 = arith.constant 64 : index
      %get3A_214 = tpu.vector_load %arg7[%get3A_213] {strides = array<i32>} : memref<128xi32, #tpu.memory_space<vmem>>, vector<16xi32>,
      %gather3A_215 = tpu.vector_load_idx %arg5[%broadcast_in_dim3A_184, %get3A_214] : memref<8x4096xf32, #tpu.memory_space<vmem>>[vector<16xi32>, vector<16xi32>], vector<16xf32>,
      %swap3A_216 = arith.constant 3 : i32
      %swap3A_217 = arith.index_cast %swap3A_216 : i32 to index
      %swap3A_218 = arith.constant 64 : index
      %swap3A_219 = tpu.vector_load %arg6[%swap3A_217, %swap3A_218] {strides = array<i32>} : memref<8x128xf32, #tpu.memory_space<vmem>>, vector<16xf32>,
      tpu.vector_store %arg6[%swap3A_217, %swap3A_218], %gather3A_215 {strides = array<i32>} : memref<8x128xf32, #tpu.memory_space<vmem>>, vector<16xf32>,
      %get3A_220 = arith.constant 80 : index
      %get3A_221 = tpu.vector_load %arg7[%get3A_220] {strides = array<i32>} : memref<128xi32, #tpu.memory_space<vmem>>, vector<16xi32>,
      %gather3A_222 = tpu.vector_load_idx %arg5[%broadcast_in_dim3A_184, %get3A_221] : memref<8x4096xf32, #tpu.memory_space<vmem>>[vector<16xi32>, vector<16xi32>], vector<16xf32>,
      %swap3A_223 = arith.constant 3 : i32
      %swap3A_224 = arith.index_cast %swap3A_223 : i32 to index
      %swap3A_225 = arith.constant 80 : index
      %swap3A_226 = tpu.vector_load %arg6[%swap3A_224, %swap3A_225] {strides = array<i32>} : memref<8x128xf32, #tpu.memory_space<vmem>>, vector<16xf32>,
      tpu.vector_store %arg6[%swap3A_224, %swap3A_225], %gather3A_222 {strides = array<i32>} : memref<8x128xf32, #tpu.memory_space<vmem>>, vector<16xf32>,
      %get3A_227 = arith.constant 96 : index
      %get3A_228 = tpu.vector_load %arg7[%get3A_227] {strides = array<i32>} : memref<128xi32, #tpu.memory_space<vmem>>, vector<16xi32>,
      %gather3A_229 = tpu.vector_load_idx %arg5[%broadcast_in_dim3A_184, %get3A_228] : memref<8x4096xf32, #tpu.memory_space<vmem>>[vector<16xi32>, vector<16xi32>], vector<16xf32>,
      %swap3A_230 = arith.constant 3 : i32
      %swap3A_231 = arith.index_cast %swap3A_230 : i32 to index
      %swap3A_232 = arith.constant 96 : index
      %swap3A_233 = tpu.vector_load %arg6[%swap3A_231, %swap3A_232] {strides = array<i32>} : memref<8x128xf32, #tpu.memory_space<vmem>>, vector<16xf32>,
      tpu.vector_store %arg6[%swap3A_231, %swap3A_232], %gather3A_229 {strides = array<i32>} : memref<8x128xf32, #tpu.memory_space<vmem>>, vector<16xf32>,
      %get3A_234 = arith.constant 112 : index
      %get3A_235 = tpu.vector_load %arg7[%get3A_234] {strides = array<i32>} : memref<128xi32, #tpu.memory_space<vmem>>, vector<16xi32>,
      %gather3A_236 = tpu.vector_load_idx %arg5[%broadcast_in_dim3A_184, %get3A_235] : memref<8x4096xf32, #tpu.memory_space<vmem>>[vector<16xi32>, vector<16xi32>], vector<16xf32>,
      %swap3A_237 = arith.constant 3 : i32
      %swap3A_238 = arith.index_cast %swap3A_237 : i32 to index
      %swap3A_239 = arith.constant 112 : index
      %swap3A_240 = tpu.vector_load %arg6[%swap3A_238, %swap3A_239] {strides = array<i32>} : memref<8x128xf32, #tpu.memory_space<vmem>>, vector<16xf32>,
      tpu.vector_store %arg6[%swap3A_238, %swap3A_239], %gather3A_236 {strides = array<i32>} : memref<8x128xf32, #tpu.memory_space<vmem>>, vector<16xf32>,
      %broadcast_in_dim3A_241 = arith.constant 4 : i32
      %broadcast_in_dim3A_242 = vector.broadcast %broadcast_in_dim3A_241 : i32 to vector<16xi32>
      %get3A_243 = arith.constant 0 : index
      %get3A_244 = tpu.vector_load %arg7[%get3A_243] {strides = array<i32>} : memref<128xi32, #tpu.memory_space<vmem>>, vector<16xi32>,
      %gather3A_245 = tpu.vector_load_idx %arg5[%broadcast_in_dim3A_242, %get3A_244] : memref<8x4096xf32, #tpu.memory_space<vmem>>[vector<16xi32>, vector<16xi32>], vector<16xf32>,
      %swap3A_246 = arith.constant 4 : i32
      %swap3A_247 = arith.index_cast %swap3A_246 : i32 to index
      %swap3A_248 = arith.constant 0 : index
      %swap3A_249 = tpu.vector_load %arg6[%swap3A_247, %swap3A_248] {strides = array<i32>} : memref<8x128xf32, #tpu.memory_space<vmem>>, vector<16xf32>,
      tpu.vector_store %arg6[%swap3A_247, %swap3A_248], %gather3A_245 {strides = array<i32>} : memref<8x128xf32, #tpu.memory_space<vmem>>, vector<16xf32>,
      %get3A_250 = arith.constant 16 : index
      %get3A_251 = tpu.vector_load %arg7[%get3A_250] {strides = array<i32>} : memref<128xi32, #tpu.memory_space<vmem>>, vector<16xi32>,
      %gather3A_252 = tpu.vector_load_idx %arg5[%broadcast_in_dim3A_242, %get3A_251] : memref<8x4096xf32, #tpu.memory_space<vmem>>[vector<16xi32>, vector<16xi32>], vector<16xf32>,
      %swap3A_253 = arith.constant 4 : i32
      %swap3A_254 = arith.index_cast %swap3A_253 : i32 to index
      %swap3A_255 = arith.constant 16 : index
      %swap3A_256 = tpu.vector_load %arg6[%swap3A_254, %swap3A_255] {strides = array<i32>} : memref<8x128xf32, #tpu.memory_space<vmem>>, vector<16xf32>,
      tpu.vector_store %arg6[%swap3A_254, %swap3A_255], %gather3A_252 {strides = array<i32>} : memref<8x128xf32, #tpu.memory_space<vmem>>, vector<16xf32>,
      %get3A_257 = arith.constant 32 : index
      %get3A_258 = tpu.vector_load %arg7[%get3A_257] {strides = array<i32>} : memref<128xi32, #tpu.memory_space<vmem>>, vector<16xi32>,
      %gather3A_259 = tpu.vector_load_idx %arg5[%broadcast_in_dim3A_242, %get3A_258] : memref<8x4096xf32, #tpu.memory_space<vmem>>[vector<16xi32>, vector<16xi32>], vector<16xf32>,
      %swap3A_260 = arith.constant 4 : i32
      %swap3A_261 = arith.index_cast %swap3A_260 : i32 to index
      %swap3A_262 = arith.constant 32 : index
      %swap3A_263 = tpu.vector_load %arg6[%swap3A_261, %swap3A_262] {strides = array<i32>} : memref<8x128xf32, #tpu.memory_space<vmem>>, vector<16xf32>,
      tpu.vector_store %arg6[%swap3A_261, %swap3A_262], %gather3A_259 {strides = array<i32>} : memref<8x128xf32, #tpu.memory_space<vmem>>, vector<16xf32>,
      %get3A_264 = arith.constant 48 : index
      %get3A_265 = tpu.vector_load %arg7[%get3A_264] {strides = array<i32>} : memref<128xi32, #tpu.memory_space<vmem>>, vector<16xi32>,
      %gather3A_266 = tpu.vector_load_idx %arg5[%broadcast_in_dim3A_242, %get3A_265] : memref<8x4096xf32, #tpu.memory_space<vmem>>[vector<16xi32>, vector<16xi32>], vector<16xf32>,
      %swap3A_267 = arith.constant 4 : i32
      %swap3A_268 = arith.index_cast %swap3A_267 : i32 to index
      %swap3A_269 = arith.constant 48 : index
      %swap3A_270 = tpu.vector_load %arg6[%swap3A_268, %swap3A_269] {strides = array<i32>} : memref<8x128xf32, #tpu.memory_space<vmem>>, vector<16xf32>,
      tpu.vector_store %arg6[%swap3A_268, %swap3A_269], %gather3A_266 {strides = array<i32>} : memref<8x128xf32, #tpu.memory_space<vmem>>, vector<16xf32>,
      %get3A_271 = arith.constant 64 : index
      %get3A_272 = tpu.vector_load %arg7[%get3A_271] {strides = array<i32>} : memref<128xi32, #tpu.memory_space<vmem>>, vector<16xi32>,
      %gather3A_273 = tpu.vector_load_idx %arg5[%broadcast_in_dim3A_242, %get3A_272] : memref<8x4096xf32, #tpu.memory_space<vmem>>[vector<16xi32>, vector<16xi32>], vector<16xf32>,
      %swap3A_274 = arith.constant 4 : i32
      %swap3A_275 = arith.index_cast %swap3A_274 : i32 to index
      %swap3A_276 = arith.constant 64 : index
      %swap3A_277 = tpu.vector_load %arg6[%swap3A_275, %swap3A_276] {strides = array<i32>} : memref<8x128xf32, #tpu.memory_space<vmem>>, vector<16xf32>,
      tpu.vector_store %arg6[%swap3A_275, %swap3A_276], %gather3A_273 {strides = array<i32>} : memref<8x128xf32, #tpu.memory_space<vmem>>, vector<16xf32>,
      %get3A_278 = arith.constant 80 : index
      %get3A_279 = tpu.vector_load %arg7[%get3A_278] {strides = array<i32>} : memref<128xi32, #tpu.memory_space<vmem>>, vector<16xi32>,
      %gather3A_280 = tpu.vector_load_idx %arg5[%broadcast_in_dim3A_242, %get3A_279] : memref<8x4096xf32, #tpu.memory_space<vmem>>[vector<16xi32>, vector<16xi32>], vector<16xf32>,
      %swap3A_281 = arith.constant 4 : i32
      %swap3A_282 = arith.index_cast %swap3A_281 : i32 to index
      %swap3A_283 = arith.constant 80 : index
      %swap3A_284 = tpu.vector_load %arg6[%swap3A_282, %swap3A_283] {strides = array<i32>} : memref<8x128xf32, #tpu.memory_space<vmem>>, vector<16xf32>,
      tpu.vector_store %arg6[%swap3A_282, %swap3A_283], %gather3A_280 {strides = array<i32>} : memref<8x128xf32, #tpu.memory_space<vmem>>, vector<16xf32>,
      %get3A_285 = arith.constant 96 : index
      %get3A_286 = tpu.vector_load %arg7[%get3A_285] {strides = array<i32>} : memref<128xi32, #tpu.memory_space<vmem>>, vector<16xi32>,
      %gather3A_287 = tpu.vector_load_idx %arg5[%broadcast_in_dim3A_242, %get3A_286] : memref<8x4096xf32, #tpu.memory_space<vmem>>[vector<16xi32>, vector<16xi32>], vector<16xf32>,
      %swap3A_288 = arith.constant 4 : i32
      %swap3A_289 = arith.index_cast %swap3A_288 : i32 to index
      %swap3A_290 = arith.constant 96 : index
      %swap3A_291 = tpu.vector_load %arg6[%swap3A_289, %swap3A_290] {strides = array<i32>} : memref<8x128xf32, #tpu.memory_space<vmem>>, vector<16xf32>,
      tpu.vector_store %arg6[%swap3A_289, %swap3A_290], %gather3A_287 {strides = array<i32>} : memref<8x128xf32, #tpu.memory_space<vmem>>, vector<16xf32>,
      %get3A_292 = arith.constant 112 : index
      %get3A_293 = tpu.vector_load %arg7[%get3A_292] {strides = array<i32>} : memref<128xi32, #tpu.memory_space<vmem>>, vector<16xi32>,
      %gather3A_294 = tpu.vector_load_idx %arg5[%broadcast_in_dim3A_242, %get3A_293] : memref<8x4096xf32, #tpu.memory_space<vmem>>[vector<16xi32>, vector<16xi32>], vector<16xf32>,
      %swap3A_295 = arith.constant 4 : i32
      %swap3A_296 = arith.index_cast %swap3A_295 : i32 to index
      %swap3A_297 = arith.constant 112 : index
      %swap3A_298 = tpu.vector_load %arg6[%swap3A_296, %swap3A_297] {strides = array<i32>} : memref<8x128xf32, #tpu.memory_space<vmem>>, vector<16xf32>,
      tpu.vector_store %arg6[%swap3A_296, %swap3A_297], %gather3A_294 {strides = array<i32>} : memref<8x128xf32, #tpu.memory_space<vmem>>, vector<16xf32>,
      %broadcast_in_dim3A_299 = arith.constant 5 : i32
      %broadcast_in_dim3A_300 = vector.broadcast %broadcast_in_dim3A_299 : i32 to vector<16xi32>
      %get3A_301 = arith.constant 0 : index
      %get3A_302 = tpu.vector_load %arg7[%get3A_301] {strides = array<i32>} : memref<128xi32, #tpu.memory_space<vmem>>, vector<16xi32>,
      %gather3A_303 = tpu.vector_load_idx %arg5[%broadcast_in_dim3A_300, %get3A_302] : memref<8x4096xf32, #tpu.memory_space<vmem>>[vector<16xi32>, vector<16xi32>], vector<16xf32>,
      %swap3A_304 = arith.constant 5 : i32
      %swap3A_305 = arith.index_cast %swap3A_304 : i32 to index
      %swap3A_306 = arith.constant 0 : index
      %swap3A_307 = tpu.vector_load %arg6[%swap3A_305, %swap3A_306] {strides = array<i32>} : memref<8x128xf32, #tpu.memory_space<vmem>>, vector<16xf32>,
      tpu.vector_store %arg6[%swap3A_305, %swap3A_306], %gather3A_303 {strides = array<i32>} : memref<8x128xf32, #tpu.memory_space<vmem>>, vector<16xf32>,
      %get3A_308 = arith.constant 16 : index
      %get3A_309 = tpu.vector_load %arg7[%get3A_308] {strides = array<i32>} : memref<128xi32, #tpu.memory_space<vmem>>, vector<16xi32>,
      %gather3A_310 = tpu.vector_load_idx %arg5[%broadcast_in_dim3A_300, %get3A_309] : memref<8x4096xf32, #tpu.memory_space<vmem>>[vector<16xi32>, vector<16xi32>], vector<16xf32>,
      %swap3A_311 = arith.constant 5 : i32
      %swap3A_312 = arith.index_cast %swap3A_311 : i32 to index
      %swap3A_313 = arith.constant 16 : index
      %swap3A_314 = tpu.vector_load %arg6[%swap3A_312, %swap3A_313] {strides = array<i32>} : memref<8x128xf32, #tpu.memory_space<vmem>>, vector<16xf32>,
      tpu.vector_store %arg6[%swap3A_312, %swap3A_313], %gather3A_310 {strides = array<i32>} : memref<8x128xf32, #tpu.memory_space<vmem>>, vector<16xf32>,
      %get3A_315 = arith.constant 32 : index
      %get3A_316 = tpu.vector_load %arg7[%get3A_315] {strides = array<i32>} : memref<128xi32, #tpu.memory_space<vmem>>, vector<16xi32>,
      %gather3A_317 = tpu.vector_load_idx %arg5[%broadcast_in_dim3A_300, %get3A_316] : memref<8x4096xf32, #tpu.memory_space<vmem>>[vector<16xi32>, vector<16xi32>], vector<16xf32>,
      %swap3A_318 = arith.constant 5 : i32
      %swap3A_319 = arith.index_cast %swap3A_318 : i32 to index
      %swap3A_320 = arith.constant 32 : index
      %swap3A_321 = tpu.vector_load %arg6[%swap3A_319, %swap3A_320] {strides = array<i32>} : memref<8x128xf32, #tpu.memory_space<vmem>>, vector<16xf32>,
      tpu.vector_store %arg6[%swap3A_319, %swap3A_320], %gather3A_317 {strides = array<i32>} : memref<8x128xf32, #tpu.memory_space<vmem>>, vector<16xf32>,
      %get3A_322 = arith.constant 48 : index
      %get3A_323 = tpu.vector_load %arg7[%get3A_322] {strides = array<i32>} : memref<128xi32, #tpu.memory_space<vmem>>, vector<16xi32>,
      %gather3A_324 = tpu.vector_load_idx %arg5[%broadcast_in_dim3A_300, %get3A_323] : memref<8x4096xf32, #tpu.memory_space<vmem>>[vector<16xi32>, vector<16xi32>], vector<16xf32>,
      %swap3A_325 = arith.constant 5 : i32
      %swap3A_326 = arith.index_cast %swap3A_325 : i32 to index
      %swap3A_327 = arith.constant 48 : index
      %swap3A_328 = tpu.vector_load %arg6[%swap3A_326, %swap3A_327] {strides = array<i32>} : memref<8x128xf32, #tpu.memory_space<vmem>>, vector<16xf32>,
      tpu.vector_store %arg6[%swap3A_326, %swap3A_327], %gather3A_324 {strides = array<i32>} : memref<8x128xf32, #tpu.memory_space<vmem>>, vector<16xf32>,
      %get3A_329 = arith.constant 64 : index
      %get3A_330 = tpu.vector_load %arg7[%get3A_329] {strides = array<i32>} : memref<128xi32, #tpu.memory_space<vmem>>, vector<16xi32>,
      %gather3A_331 = tpu.vector_load_idx %arg5[%broadcast_in_dim3A_300, %get3A_330] : memref<8x4096xf32, #tpu.memory_space<vmem>>[vector<16xi32>, vector<16xi32>], vector<16xf32>,
      %swap3A_332 = arith.constant 5 : i32
      %swap3A_333 = arith.index_cast %swap3A_332 : i32 to index
      %swap3A_334 = arith.constant 64 : index
      %swap3A_335 = tpu.vector_load %arg6[%swap3A_333, %swap3A_334] {strides = array<i32>} : memref<8x128xf32, #tpu.memory_space<vmem>>, vector<16xf32>,
      tpu.vector_store %arg6[%swap3A_333, %swap3A_334], %gather3A_331 {strides = array<i32>} : memref<8x128xf32, #tpu.memory_space<vmem>>, vector<16xf32>,
      %get3A_336 = arith.constant 80 : index
      %get3A_337 = tpu.vector_load %arg7[%get3A_336] {strides = array<i32>} : memref<128xi32, #tpu.memory_space<vmem>>, vector<16xi32>,
      %gather3A_338 = tpu.vector_load_idx %arg5[%broadcast_in_dim3A_300, %get3A_337] : memref<8x4096xf32, #tpu.memory_space<vmem>>[vector<16xi32>, vector<16xi32>], vector<16xf32>,
      %swap3A_339 = arith.constant 5 : i32
      %swap3A_340 = arith.index_cast %swap3A_339 : i32 to index
      %swap3A_341 = arith.constant 80 : index
      %swap3A_342 = tpu.vector_load %arg6[%swap3A_340, %swap3A_341] {strides = array<i32>} : memref<8x128xf32, #tpu.memory_space<vmem>>, vector<16xf32>,
      tpu.vector_store %arg6[%swap3A_340, %swap3A_341], %gather3A_338 {strides = array<i32>} : memref<8x128xf32, #tpu.memory_space<vmem>>, vector<16xf32>,
      %get3A_343 = arith.constant 96 : index
      %get3A_344 = tpu.vector_load %arg7[%get3A_343] {strides = array<i32>} : memref<128xi32, #tpu.memory_space<vmem>>, vector<16xi32>,
      %gather3A_345 = tpu.vector_load_idx %arg5[%broadcast_in_dim3A_300, %get3A_344] : memref<8x4096xf32, #tpu.memory_space<vmem>>[vector<16xi32>, vector<16xi32>], vector<16xf32>,
      %swap3A_346 = arith.constant 5 : i32
      %swap3A_347 = arith.index_cast %swap3A_346 : i32 to index
      %swap3A_348 = arith.constant 96 : index
      %swap3A_349 = tpu.vector_load %arg6[%swap3A_347, %swap3A_348] {strides = array<i32>} : memref<8x128xf32, #tpu.memory_space<vmem>>, vector<16xf32>,
      tpu.vector_store %arg6[%swap3A_347, %swap3A_348], %gather3A_345 {strides = array<i32>} : memref<8x128xf32, #tpu.memory_space<vmem>>, vector<16xf32>,
      %get3A_350 = arith.constant 112 : index
      %get3A_351 = tpu.vector_load %arg7[%get3A_350] {strides = array<i32>} : memref<128xi32, #tpu.memory_space<vmem>>, vector<16xi32>,
      %gather3A_352 = tpu.vector_load_idx %arg5[%broadcast_in_dim3A_300, %get3A_351] : memref<8x4096xf32, #tpu.memory_space<vmem>>[vector<16xi32>, vector<16xi32>], vector<16xf32>,
      %swap3A_353 = arith.constant 5 : i32
      %swap3A_354 = arith.index_cast %swap3A_353 : i32 to index
      %swap3A_355 = arith.constant 112 : index
      %swap3A_356 = tpu.vector_load %arg6[%swap3A_354, %swap3A_355] {strides = array<i32>} : memref<8x128xf32, #tpu.memory_space<vmem>>, vector<16xf32>,
      tpu.vector_store %arg6[%swap3A_354, %swap3A_355], %gather3A_352 {strides = array<i32>} : memref<8x128xf32, #tpu.memory_space<vmem>>, vector<16xf32>,
      %broadcast_in_dim3A_357 = arith.constant 6 : i32
      %broadcast_in_dim3A_358 = vector.broadcast %broadcast_in_dim3A_357 : i32 to vector<16xi32>
      %get3A_359 = arith.constant 0 : index
      %get3A_360 = tpu.vector_load %arg7[%get3A_359] {strides = array<i32>} : memref<128xi32, #tpu.memory_space<vmem>>, vector<16xi32>,
      %gather3A_361 = tpu.vector_load_idx %arg5[%broadcast_in_dim3A_358, %get3A_360] : memref<8x4096xf32, #tpu.memory_space<vmem>>[vector<16xi32>, vector<16xi32>], vector<16xf32>,
      %swap3A_362 = arith.constant 6 : i32
      %swap3A_363 = arith.index_cast %swap3A_362 : i32 to index
      %swap3A_364 = arith.constant 0 : index
      %swap3A_365 = tpu.vector_load %arg6[%swap3A_363, %swap3A_364] {strides = array<i32>} : memref<8x128xf32, #tpu.memory_space<vmem>>, vector<16xf32>,
      tpu.vector_store %arg6[%swap3A_363, %swap3A_364], %gather3A_361 {strides = array<i32>} : memref<8x128xf32, #tpu.memory_space<vmem>>, vector<16xf32>,
      %get3A_366 = arith.constant 16 : index
      %get3A_367 = tpu.vector_load %arg7[%get3A_366] {strides = array<i32>} : memref<128xi32, #tpu.memory_space<vmem>>, vector<16xi32>,
      %gather3A_368 = tpu.vector_load_idx %arg5[%broadcast_in_dim3A_358, %get3A_367] : memref<8x4096xf32, #tpu.memory_space<vmem>>[vector<16xi32>, vector<16xi32>], vector<16xf32>,
      %swap3A_369 = arith.constant 6 : i32
      %swap3A_370 = arith.index_cast %swap3A_369 : i32 to index
      %swap3A_371 = arith.constant 16 : index
      %swap3A_372 = tpu.vector_load %arg6[%swap3A_370, %swap3A_371] {strides = array<i32>} : memref<8x128xf32, #tpu.memory_space<vmem>>, vector<16xf32>,
      tpu.vector_store %arg6[%swap3A_370, %swap3A_371], %gather3A_368 {strides = array<i32>} : memref<8x128xf32, #tpu.memory_space<vmem>>, vector<16xf32>,
      %get3A_373 = arith.constant 32 : index
      %get3A_374 = tpu.vector_load %arg7[%get3A_373] {strides = array<i32>} : memref<128xi32, #tpu.memory_space<vmem>>, vector<16xi32>,
      %gather3A_375 = tpu.vector_load_idx %arg5[%broadcast_in_dim3A_358, %get3A_374] : memref<8x4096xf32, #tpu.memory_space<vmem>>[vector<16xi32>, vector<16xi32>], vector<16xf32>,
      %swap3A_376 = arith.constant 6 : i32
      %swap3A_377 = arith.index_cast %swap3A_376 : i32 to index
      %swap3A_378 = arith.constant 32 : index
      %swap3A_379 = tpu.vector_load %arg6[%swap3A_377, %swap3A_378] {strides = array<i32>} : memref<8x128xf32, #tpu.memory_space<vmem>>, vector<16xf32>,
      tpu.vector_store %arg6[%swap3A_377, %swap3A_378], %gather3A_375 {strides = array<i32>} : memref<8x128xf32, #tpu.memory_space<vmem>>, vector<16xf32>,
      %get3A_380 = arith.constant 48 : index
      %get3A_381 = tpu.vector_load %arg7[%get3A_380] {strides = array<i32>} : memref<128xi32, #tpu.memory_space<vmem>>, vector<16xi32>,
      %gather3A_382 = tpu.vector_load_idx %arg5[%broadcast_in_dim3A_358, %get3A_381] : memref<8x4096xf32, #tpu.memory_space<vmem>>[vector<16xi32>, vector<16xi32>], vector<16xf32>,
      %swap3A_383 = arith.constant 6 : i32
      %swap3A_384 = arith.index_cast %swap3A_383 : i32 to index
      %swap3A_385 = arith.constant 48 : index
      %swap3A_386 = tpu.vector_load %arg6[%swap3A_384, %swap3A_385] {strides = array<i32>} : memref<8x128xf32, #tpu.memory_space<vmem>>, vector<16xf32>,
      tpu.vector_store %arg6[%swap3A_384, %swap3A_385], %gather3A_382 {strides = array<i32>} : memref<8x128xf32, #tpu.memory_space<vmem>>, vector<16xf32>,
      %get3A_387 = arith.constant 64 : index
      %get3A_388 = tpu.vector_load %arg7[%get3A_387] {strides = array<i32>} : memref<128xi32, #tpu.memory_space<vmem>>, vector<16xi32>,
      %gather3A_389 = tpu.vector_load_idx %arg5[%broadcast_in_dim3A_358, %get3A_388] : memref<8x4096xf32, #tpu.memory_space<vmem>>[vector<16xi32>, vector<16xi32>], vector<16xf32>,
      %swap3A_390 = arith.constant 6 : i32
      %swap3A_391 = arith.index_cast %swap3A_390 : i32 to index
      %swap3A_392 = arith.constant 64 : index
      %swap3A_393 = tpu.vector_load %arg6[%swap3A_391, %swap3A_392] {strides = array<i32>} : memref<8x128xf32, #tpu.memory_space<vmem>>, vector<16xf32>,
      tpu.vector_store %arg6[%swap3A_391, %swap3A_392], %gather3A_389 {strides = array<i32>} : memref<8x128xf32, #tpu.memory_space<vmem>>, vector<16xf32>,
      %get3A_394 = arith.constant 80 : index
      %get3A_395 = tpu.vector_load %arg7[%get3A_394] {strides = array<i32>} : memref<128xi32, #tpu.memory_space<vmem>>, vector<16xi32>,
      %gather3A_396 = tpu.vector_load_idx %arg5[%broadcast_in_dim3A_358, %get3A_395] : memref<8x4096xf32, #tpu.memory_space<vmem>>[vector<16xi32>, vector<16xi32>], vector<16xf32>,
      %swap3A_397 = arith.constant 6 : i32
      %swap3A_398 = arith.index_cast %swap3A_397 : i32 to index
      %swap3A_399 = arith.constant 80 : index
      %swap3A_400 = tpu.vector_load %arg6[%swap3A_398, %swap3A_399] {strides = array<i32>} : memref<8x128xf32, #tpu.memory_space<vmem>>, vector<16xf32>,
      tpu.vector_store %arg6[%swap3A_398, %swap3A_399], %gather3A_396 {strides = array<i32>} : memref<8x128xf32, #tpu.memory_space<vmem>>, vector<16xf32>,
      %get3A_401 = arith.constant 96 : index
      %get3A_402 = tpu.vector_load %arg7[%get3A_401] {strides = array<i32>} : memref<128xi32, #tpu.memory_space<vmem>>, vector<16xi32>,
      %gather3A_403 = tpu.vector_load_idx %arg5[%broadcast_in_dim3A_358, %get3A_402] : memref<8x4096xf32, #tpu.memory_space<vmem>>[vector<16xi32>, vector<16xi32>], vector<16xf32>,
      %swap3A_404 = arith.constant 6 : i32
      %swap3A_405 = arith.index_cast %swap3A_404 : i32 to index
      %swap3A_406 = arith.constant 96 : index
      %swap3A_407 = tpu.vector_load %arg6[%swap3A_405, %swap3A_406] {strides = array<i32>} : memref<8x128xf32, #tpu.memory_space<vmem>>, vector<16xf32>,
      tpu.vector_store %arg6[%swap3A_405, %swap3A_406], %gather3A_403 {strides = array<i32>} : memref<8x128xf32, #tpu.memory_space<vmem>>, vector<16xf32>,
      %get3A_408 = arith.constant 112 : index
      %get3A_409 = tpu.vector_load %arg7[%get3A_408] {strides = array<i32>} : memref<128xi32, #tpu.memory_space<vmem>>, vector<16xi32>,
      %gather3A_410 = tpu.vector_load_idx %arg5[%broadcast_in_dim3A_358, %get3A_409] : memref<8x4096xf32, #tpu.memory_space<vmem>>[vector<16xi32>, vector<16xi32>], vector<16xf32>,
      %swap3A_411 = arith.constant 6 : i32
      %swap3A_412 = arith.index_cast %swap3A_411 : i32 to index
      %swap3A_413 = arith.constant 112 : index
      %swap3A_414 = tpu.vector_load %arg6[%swap3A_412, %swap3A_413] {strides = array<i32>} : memref<8x128xf32, #tpu.memory_space<vmem>>, vector<16xf32>,
      tpu.vector_store %arg6[%swap3A_412, %swap3A_413], %gather3A_410 {strides = array<i32>} : memref<8x128xf32, #tpu.memory_space<vmem>>, vector<16xf32>,
      %broadcast_in_dim3A_415 = arith.constant 7 : i32
      %broadcast_in_dim3A_416 = vector.broadcast %broadcast_in_dim3A_415 : i32 to vector<16xi32>
      %get3A_417 = arith.constant 0 : index
      %get3A_418 = tpu.vector_load %arg7[%get3A_417] {strides = array<i32>} : memref<128xi32, #tpu.memory_space<vmem>>, vector<16xi32>,
      %gather3A_419 = tpu.vector_load_idx %arg5[%broadcast_in_dim3A_416, %get3A_418] : memref<8x4096xf32, #tpu.memory_space<vmem>>[vector<16xi32>, vector<16xi32>], vector<16xf32>,
      %swap3A_420 = arith.constant 7 : i32
      %swap3A_421 = arith.index_cast %swap3A_420 : i32 to index
      %swap3A_422 = arith.constant 0 : index
      %swap3A_423 = tpu.vector_load %arg6[%swap3A_421, %swap3A_422] {strides = array<i32>} : memref<8x128xf32, #tpu.memory_space<vmem>>, vector<16xf32>,
      tpu.vector_store %arg6[%swap3A_421, %swap3A_422], %gather3A_419 {strides = array<i32>} : memref<8x128xf32, #tpu.memory_space<vmem>>, vector<16xf32>,
      %get3A_424 = arith.constant 16 : index
      %get3A_425 = tpu.vector_load %arg7[%get3A_424] {strides = array<i32>} : memref<128xi32, #tpu.memory_space<vmem>>, vector<16xi32>,
      %gather3A_426 = tpu.vector_load_idx %arg5[%broadcast_in_dim3A_416, %get3A_425] : memref<8x4096xf32, #tpu.memory_space<vmem>>[vector<16xi32>, vector<16xi32>], vector<16xf32>,
      %swap3A_427 = arith.constant 7 : i32
      %swap3A_428 = arith.index_cast %swap3A_427 : i32 to index
      %swap3A_429 = arith.constant 16 : index
      %swap3A_430 = tpu.vector_load %arg6[%swap3A_428, %swap3A_429] {strides = array<i32>} : memref<8x128xf32, #tpu.memory_space<vmem>>, vector<16xf32>,
      tpu.vector_store %arg6[%swap3A_428, %swap3A_429], %gather3A_426 {strides = array<i32>} : memref<8x128xf32, #tpu.memory_space<vmem>>, vector<16xf32>,
      %get3A_431 = arith.constant 32 : index
      %get3A_432 = tpu.vector_load %arg7[%get3A_431] {strides = array<i32>} : memref<128xi32, #tpu.memory_space<vmem>>, vector<16xi32>,
      %gather3A_433 = tpu.vector_load_idx %arg5[%broadcast_in_dim3A_416, %get3A_432] : memref<8x4096xf32, #tpu.memory_space<vmem>>[vector<16xi32>, vector<16xi32>], vector<16xf32>,
      %swap3A_434 = arith.constant 7 : i32
      %swap3A_435 = arith.index_cast %swap3A_434 : i32 to index
      %swap3A_436 = arith.constant 32 : index
      %swap3A_437 = tpu.vector_load %arg6[%swap3A_435, %swap3A_436] {strides = array<i32>} : memref<8x128xf32, #tpu.memory_space<vmem>>, vector<16xf32>,
      tpu.vector_store %arg6[%swap3A_435, %swap3A_436], %gather3A_433 {strides = array<i32>} : memref<8x128xf32, #tpu.memory_space<vmem>>, vector<16xf32>,
      %get3A_438 = arith.constant 48 : index
      %get3A_439 = tpu.vector_load %arg7[%get3A_438] {strides = array<i32>} : memref<128xi32, #tpu.memory_space<vmem>>, vector<16xi32>,
      %gather3A_440 = tpu.vector_load_idx %arg5[%broadcast_in_dim3A_416, %get3A_439] : memref<8x4096xf32, #tpu.memory_space<vmem>>[vector<16xi32>, vector<16xi32>], vector<16xf32>,
      %swap3A_441 = arith.constant 7 : i32
      %swap3A_442 = arith.index_cast %swap3A_441 : i32 to index
      %swap3A_443 = arith.constant 48 : index
      %swap3A_444 = tpu.vector_load %arg6[%swap3A_442, %swap3A_443] {strides = array<i32>} : memref<8x128xf32, #tpu.memory_space<vmem>>, vector<16xf32>,
      tpu.vector_store %arg6[%swap3A_442, %swap3A_443], %gather3A_440 {strides = array<i32>} : memref<8x128xf32, #tpu.memory_space<vmem>>, vector<16xf32>,
      %get3A_445 = arith.constant 64 : index
      %get3A_446 = tpu.vector_load %arg7[%get3A_445] {strides = array<i32>} : memref<128xi32, #tpu.memory_space<vmem>>, vector<16xi32>,
      %gather3A_447 = tpu.vector_load_idx %arg5[%broadcast_in_dim3A_416, %get3A_446] : memref<8x4096xf32, #tpu.memory_space<vmem>>[vector<16xi32>, vector<16xi32>], vector<16xf32>,
      %swap3A_448 = arith.constant 7 : i32
      %swap3A_449 = arith.index_cast %swap3A_448 : i32 to index
      %swap3A_450 = arith.constant 64 : index
      %swap3A_451 = tpu.vector_load %arg6[%swap3A_449, %swap3A_450] {strides = array<i32>} : memref<8x128xf32, #tpu.memory_space<vmem>>, vector<16xf32>,
      tpu.vector_store %arg6[%swap3A_449, %swap3A_450], %gather3A_447 {strides = array<i32>} : memref<8x128xf32, #tpu.memory_space<vmem>>, vector<16xf32>,
      %get3A_452 = arith.constant 80 : index
      %get3A_453 = tpu.vector_load %arg7[%get3A_452] {strides = array<i32>} : memref<128xi32, #tpu.memory_space<vmem>>, vector<16xi32>,
      %gather3A_454 = tpu.vector_load_idx %arg5[%broadcast_in_dim3A_416, %get3A_453] : memref<8x4096xf32, #tpu.memory_space<vmem>>[vector<16xi32>, vector<16xi32>], vector<16xf32>,
      %swap3A_455 = arith.constant 7 : i32
      %swap3A_456 = arith.index_cast %swap3A_455 : i32 to index
      %swap3A_457 = arith.constant 80 : index
      %swap3A_458 = tpu.vector_load %arg6[%swap3A_456, %swap3A_457] {strides = array<i32>} : memref<8x128xf32, #tpu.memory_space<vmem>>, vector<16xf32>,
      tpu.vector_store %arg6[%swap3A_456, %swap3A_457], %gather3A_454 {strides = array<i32>} : memref<8x128xf32, #tpu.memory_space<vmem>>, vector<16xf32>,
      %get3A_459 = arith.constant 96 : index
      %get3A_460 = tpu.vector_load %arg7[%get3A_459] {strides = array<i32>} : memref<128xi32, #tpu.memory_space<vmem>>, vector<16xi32>,
      %gather3A_461 = tpu.vector_load_idx %arg5[%broadcast_in_dim3A_416, %get3A_460] : memref<8x4096xf32, #tpu.memory_space<vmem>>[vector<16xi32>, vector<16xi32>], vector<16xf32>,
      %swap3A_462 = arith.constant 7 : i32
      %swap3A_463 = arith.index_cast %swap3A_462 : i32 to index
      %swap3A_464 = arith.constant 96 : index
      %swap3A_465 = tpu.vector_load %arg6[%swap3A_463, %swap3A_464] {strides = array<i32>} : memref<8x128xf32, #tpu.memory_space<vmem>>, vector<16xf32>,
      tpu.vector_store %arg6[%swap3A_463, %swap3A_464], %gather3A_461 {strides = array<i32>} : memref<8x128xf32, #tpu.memory_space<vmem>>, vector<16xf32>,
      %get3A_466 = arith.constant 112 : index
      %get3A_467 = tpu.vector_load %arg7[%get3A_466] {strides = array<i32>} : memref<128xi32, #tpu.memory_space<vmem>>, vector<16xi32>,
      %gather3A_468 = tpu.vector_load_idx %arg5[%broadcast_in_dim3A_416, %get3A_467] : memref<8x4096xf32, #tpu.memory_space<vmem>>[vector<16xi32>, vector<16xi32>], vector<16xf32>,
      %swap3A_469 = arith.constant 7 : i32
      %swap3A_470 = arith.index_cast %swap3A_469 : i32 to index
      %swap3A_471 = arith.constant 112 : index
      %swap3A_472 = tpu.vector_load %arg6[%swap3A_470, %swap3A_471] {strides = array<i32>} : memref<8x128xf32, #tpu.memory_space<vmem>>, vector<16xf32>,
      tpu.vector_store %arg6[%swap3A_470, %swap3A_471], %gather3A_468 {strides = array<i32>} : memref<8x128xf32, #tpu.memory_space<vmem>>, vector<16xf32>,
      %sub3A = arith.constant 12288 : i32
      %sub3A_473 = arith.subi %add3A_12, %sub3A : i32
      "tpu.region"() ({
        %run_scoped3A = tpu.sem_alloc : memref<!tpu.dma_semaphore, #tpu.memory_space<semaphore_mem>>
        %dma_start3A = arith.constant 0 : i32
        %dma_start3A_474 = tpu.memref_slice %arg4[%sub3A_473, %dma_start3A] : memref<4096x128xf32, #tpu.memory_space<hbm>> -> memref<8x128xf32, #tpu.memory_space<hbm>>
        %dma_start3A_475 = arith.constant 0 : i32
        %dma_start3A_476 = tpu.memref_slice %arg4[%sub3A_473, %dma_start3A_475] : memref<4096x128xf32, #tpu.memory_space<hbm>> -> memref<8x128xf32, #tpu.memory_space<hbm>>
        tpu.enqueue_dma source(%arg6 : memref<8x128xf32, #tpu.memory_space<vmem>>) target(%dma_start3A_476 : memref<8x128xf32, #tpu.memory_space<hbm>>) target_semaphore(%run_scoped3A : memref<!tpu.dma_semaphore, #tpu.memory_space<semaphore_mem>>)
        %dma_wait3A = arith.constant 0 : i32
        %dma_wait3A_477 = tpu.memref_slice %arg4[%sub3A_473, %dma_wait3A] : memref<4096x128xf32, #tpu.memory_space<hbm>> -> memref<8x128xf32, #tpu.memory_space<hbm>>
        %dma_wait3A_478 = arith.constant 0 : i32
        %dma_wait3A_479 = tpu.memref_slice %arg4[%sub3A_473, %dma_wait3A_478] : memref<4096x128xf32, #tpu.memory_space<hbm>> -> memref<8x128xf32, #tpu.memory_space<hbm>>
        tpu.wait_dma2 semaphore(%run_scoped3A : memref<!tpu.dma_semaphore, #tpu.memory_space<semaphore_mem>>) src(%arg6 : memref<8x128xf32, #tpu.memory_space<vmem>>) dst(%dma_wait3A_479 : memref<8x128xf32, #tpu.memory_space<hbm>>)
        tpu.yield
      }) : () -> ()
    }
    %scan3A_8 = arith.constant 16 : i32
    return
  }
}

module attributes {stable_mosaic.version = 14 : i64} {
  func.func @_select_body(%arg0: i32, %arg1: memref<512x4096xf32, #tpu.memory_space<vmem>>, %arg2: memref<4096x128xf32, #tpu.memory_space<vmem>>, %arg3: memref<512x128xf32, #tpu.memory_space<vmem>>) attributes {dimension_semantics = [#tpu.dimension_semantics<arbitrary>], iteration_bounds = array<i64: 24>, scalar_prefetch = 0 : i64, scratch_operands = 0 : i64, tpu.core_type = #tpu.core_type<tc>, window_params = [{transform_indices = @transform_0, window_bounds = array<i64: 512, 4096>}, {pipeline_mode = #tpu.pipeline_mode<synchronous>, transform_indices = @transform_1, window_bounds = array<i64: 4096, 128>}, {transform_indices = @transform_2, window_bounds = array<i64: 512, 128>}]} {
    %get3A = arith.constant 0 : index
    %get3A_0 = arith.constant 0 : index
    %get3A_1 = vector.load %arg1[%get3A, %get3A_0] : memref<512x4096xf32, #tpu.memory_space<vmem>>, vector<512x4096xf32>
    %get3A_2 = arith.constant 0 : index
    %get3A_3 = arith.constant 0 : index
    %get3A_4 = vector.load %arg2[%get3A_2, %get3A_3] : memref<4096x128xf32, #tpu.memory_space<vmem>>, vector<4096x128xf32>
    %dot_general3A = arith.constant dense<0.000000e+00> : vector<512x128xf32>
    %dot_general3A_5 = tpu.matmul %get3A_1, %get3A_4, %dot_general3A {dimension_numbers = #tpu.dot_dimension_numbers<[1], [0], [0], [1], [0, 0, 1, 1], [], []>, transpose_lhs_hint = false} : vector<512x4096xf32>, vector<4096x128xf32>, vector<512x128xf32> -> vector<512x128xf32>
    %swap3A = arith.constant 0 : index
    %swap3A_6 = arith.constant 0 : index
    %swap3A_7 = vector.load %arg3[%swap3A, %swap3A_6] : memref<512x128xf32, #tpu.memory_space<vmem>>, vector<512x128xf32>
    tpu.vector_store %arg3[%swap3A, %swap3A_6], %dot_general3A_5 {strides = array<i32>} : memref<512x128xf32, #tpu.memory_space<vmem>>, vector<512x128xf32>,
    return
  }
  func.func @transform_0(%arg0: i32) -> (i32, i32) {
    %c0_i32 = arith.constant 0 : i32
    %c0_i32_0 = arith.constant 0 : i32
    return %arg0, %c0_i32 : i32, i32
  }
  func.func @transform_1(%arg0: i32) -> (i32, i32) {
    %c0_i32 = arith.constant 0 : i32
    %c0_i32_0 = arith.constant 0 : i32
    %c0_i32_1 = arith.constant 0 : i32
    return %c0_i32, %c0_i32_0 : i32, i32
  }
  func.func @transform_2(%arg0: i32) -> (i32, i32) {
    %c0_i32 = arith.constant 0 : i32
    %c0_i32_0 = arith.constant 0 : i32
    return %arg0, %c0_i32 : i32, i32
  }
}

</mosaic_0001>

<sc_bundles>
// kernel: kernel.4.cloned.1.call-start
scs
__scs_entry_jumppad:
0x0: {  	(pc) =	sbr.rel $0x88, $3  }
0x1: {  	(tag) =	ssettag $0x0;
	lr =	simm.s32 $0x1  }
0x2: {  	[smem:$0x3F9F] =	sst lr;
	_ =	strace $0xD0000000  }
0x3: {  	_ = 	snop  }
0x4: {  	_ = 	snop  }
0x5: {  	_ = 	snop  }
0x6: {  	_ = 	snop  }
0x7: {  	_ = 	snop  }
__scs_overlays_trampoline_lowered:
0x8: {  	[smem:$0x3FAE] =	sst s0  }
0x9: {  	[smem:$0x3FAF] =	sst s1  }
0xa: {  	[smem:$0x3FB0] =	sst s2  }
0xb: {  	[smem:$0x3FB1] =	sst s3  }
0xc: {  	[smem:$0x3FB2] =	sst s4  }
0xd: {  	[smem:$0x3FB3] =	sst s5  }
0xe: {  	[smem:$0x3FB4] =	sst s6  }
0xf: {  	[smem:$0x3FB5] =	sst s7  }
0x10: {  	[smem:$0x3FB6] =	sst s8  }
0x11: {  	[smem:$0x3FB7] =	sst s9;
	s0 =	simm.s32 @!p0 $0x0  }
0x12: {  	s1 =	sld [smem:$0x3F9D];
	s0 =	simm.s32 @p0 $0x1  }
0x13: {  	[smem:$0x3FB8] =	sst s0;
	s0 =	simm.s32 @!p1 $0x0  }
0x14: {  	s2 =	sld [smem:$0x3F9C];
	s0 =	simm.s32 @p1 $0x1  }
0x15: {  	[smem:$0x3FB9] =	sst s0;
	s0 =	simm.s32 @!p2 $0x0  }
0x16: {  	s3 =	sld [smem:$0x3FDB];
	s0 =	simm.s32 @p2 $0x1  }
0x17: {  	s4 =	simm.s32 $0x1BF5;
	[smem:$0x3FBB] =	sst s0  }
0x18: {  	s0 =	sld [smem:$0x3F9E];
	_ =	swait.ge [sflag:s4], $0x0  }
0x19: {  	s7 =	sld [smem:$0x3F9F]  }
0x1a: {  	s8 =	sadd.s32 $0xFFFFE003, lr  }
0x1b: {  	s9 =	sadd.s32 $0xFFFFFEF7, lr;
	s5 =	simm.s32 $0xFFFFFFFF;
	p2 =	slt.u32 s8, $0xFFFFF086  }
0x1c: {  	p1 =	slt.u32 s9, $0xF7A;
	s5 =	simm.s32 @!p2 $0x0  }
0x1d: {  	s5 =	simm.s32 @p1 $0x1;
	p0 =	seq.s32 s7, s2  }
0x1e: {  	s7 =	smul.u32 @!p0 $0xF7A, s2;
	p2 =	seq.s32 @!p0 s5, $0x0  }
0x1f: {  	s9 =	smul.u32 $0xF7A, s1;
	s8 =	simm.s32 @!p0 $0x1BF5;
	p2 =	por !p2, p0  }
0x20: {  	[sflag:s8] =	ssyncset.s32 @!p0 $0xFFFFF086;
	s6 =	sadd.s32 @!p0 s3, s7;
	s7 =	simm.s32 @!p0 $0x108  }
0x21: {  	s3 =	sadd.s32 s3, s9;
	s6 =	sadd.s32 @!p0 $0x88, s6;
	s7 =	simm.s32 @p2 $0x1082  }
0x22: {  	[simem:s7], [sflag:s8] =	dma.local @!p0 [hbm:s6], $0xF7A  }
0x23: {  	s9 =	sor.u32 $0xD0000000, s2;
	s6 =	simm.s32 $0x108;
	_ =	swait.ge @!p0 [sflag:s8], $0x0  }
0x24: {  	s3 =	sadd.s32 $0x88, s3;
	s6 =	simm.s32 @!p1 $0x1082;
	[sflag:s4] =	ssyncset.s32 $0xFFFFF086  }
0x25: {  	[simem:s6], [sflag:s4] =	dma.local [hbm:s3], $0xF7A  }
0x26: {  	[smem:$0x3F9F] =	sst s1;
	(tag) =	ssettag s2;
	_ =	strace s9  }
0x27: {  	s1 =	sld [smem:$0x3FAF]  }
0x28: {  	s2 =	sld [smem:$0x3FB0]  }
0x29: {  	s4 =	sld [smem:$0x3FB2]  }
0x2a: {  	p0 =	seq.s32 s5, $0x0;
	s5 =	sld [smem:$0x3FB3]  }
0x2b: {  	s6 =	sld [smem:$0x3FB4]  }
0x2c: {  	s7 =	sld [smem:$0x3FB5]  }
0x2d: {  	s3 =	simm.s32 $0x108;
	s8 =	sld [smem:$0x3FB6]  }
0x2e: {  	s3 =	simm.s32 @!p0 $0x1082;
	s9 =	sld [smem:$0x3FB7]  }
0x2f: {  	lr =	sadd.s32 s0, s3;
	s0 =	sld [smem:$0x3FAE]  }
0x30: {  	s3 =	sld [smem:$0x3FB1]  }
0x31: {  	[smem:$0x3FBA] =	sst s10  }
0x32: {  	s10 =	sld [smem:$0x3FB8];
	_ =	sdelay $0x3  }
0x33: {  	p0 =	seq.s32 s10, $0x1;
	s10 =	sld [smem:$0x3FBA];
	_ =	sdelay $0x3  }
0x34: {  	[smem:$0x3FBA] =	sst s10  }
0x35: {  	s10 =	sld [smem:$0x3FB9];
	_ =	sdelay $0x3  }
0x36: {  	p1 =	seq.s32 s10, $0x1;
	s10 =	sld [smem:$0x3FBA];
	_ =	sdelay $0x3  }
0x37: {  	[smem:$0x3FBA] =	sst s10  }
0x38: {  	s10 =	sld [smem:$0x3FBB]  }
0x39: {  	_ = 	snop;
	(pc) =	sbr.ind lr, $3  }
0x3a: {  	_ = 	snop  }
0x3b: {  	_ = 	snop  }
0x3c: {  	p2 =	seq.s32 s10, $0x1;
	s10 =	sld [smem:$0x3FBA]  }
0x3d: {  	_ =	shalt  }
0x3e: {  	_ =	shalt  }
0x3f: {  	_ =	shalt  }
0x40: {  	_ =	shalt  }
0x41: {  	_ =	shalt  }
0x42: {  	_ =	shalt  }
0x43: {  	_ =	shalt  }
0x44: {  	_ =	shalt  }
0x45: {  	_ =	shalt  }
0x46: {  	_ =	shalt  }
0x47: {  	_ =	shalt  }
0x48: {  	_ =	shalt  }
0x49: {  	_ =	shalt  }
0x4a: {  	_ =	shalt  }
0x4b: {  	_ =	shalt  }
0x4c: {  	_ =	shalt  }
0x4d: {  	_ =	shalt  }
0x4e: {  	_ =	shalt  }
0x4f: {  	_ =	shalt  }
0x50: {  	_ =	shalt  }
0x51: {  	_ =	shalt  }
0x52: {  	_ =	shalt  }
0x53: {  	_ =	shalt  }
0x54: {  	_ =	shalt  }
0x55: {  	_ =	shalt  }
0x56: {  	_ =	shalt  }
0x57: {  	_ =	shalt  }
0x58: {  	_ =	shalt  }
0x59: {  	_ =	shalt  }
0x5a: {  	_ =	shalt  }
0x5b: {  	_ =	shalt  }
0x5c: {  	_ =	shalt  }
0x5d: {  	_ =	shalt  }
0x5e: {  	_ =	shalt  }
0x5f: {  	_ =	shalt  }
0x60: {  	_ =	shalt  }
0x61: {  	_ =	shalt  }
0x62: {  	_ =	shalt  }
0x63: {  	_ =	shalt  }
0x64: {  	_ =	shalt  }
0x65: {  	_ =	shalt  }
0x66: {  	_ =	shalt  }
0x67: {  	_ =	shalt  }
0x68: {  	_ =	shalt  }
0x69: {  	_ =	shalt  }
0x6a: {  	_ =	shalt  }
0x6b: {  	_ =	shalt  }
0x6c: {  	_ =	shalt  }
0x6d: {  	_ =	shalt  }
0x6e: {  	_ =	shalt  }
0x6f: {  	_ =	shalt  }
0x70: {  	_ =	shalt  }
0x71: {  	_ =	shalt  }
0x72: {  	_ =	shalt  }
0x73: {  	_ =	shalt  }
0x74: {  	_ =	shalt  }
0x75: {  	_ =	shalt  }
0x76: {  	_ =	shalt  }
0x77: {  	_ =	shalt  }
0x78: {  	_ =	shalt  }
0x79: {  	_ =	shalt  }
0x7a: {  	_ =	shalt  }
0x7b: {  	_ =	shalt  }
0x7c: {  	_ =	shalt  }
0x7d: {  	_ =	shalt  }
0x7e: {  	_ =	shalt  }
0x7f: {  	_ =	shalt  }
0x80: {  	_ =	shalt  }
0x81: {  	_ =	shalt  }
0x82: {  	_ =	shalt  }
0x83: {  	_ =	shalt  }
0x84: {  	_ =	shalt  }
0x85: {  	_ =	shalt  }
0x86: {  	_ =	shalt  }
0x87: {  	_ =	shalt  }
.Lfunc_end0:
.L_simem_size_0:
called_computation_lowered:
.L_overlay_start_0:
0x88: {  	s2 =	sld [smem:$0x3FD9]  }
0x89: {  	s3 =	sld [smem:$0x3FFE];
	_ =	sdelay $0x1  }
0x8a: {  	s1 =	srdreg.scid  }
0x8b: {  	s0 =	sand.u32 $0x1, s1  }
0x8c: {  	s17 =	sshll.u32 s0, $0xA;
	s2 =	sadd.s32 s3, s2  }
0x8d: {  	s2 =	sadd.s32 s2, s17  }
0x8e: {  	[smem:$0x3FC6] =	sst s2  }
0x8f: {  	_ = 	snop  }
0x90: {  	s2 =	sld [smem:$0x3FC9]  }
0x91: {  	s18 =	sld [smem:$0x3FC8];
	(tm) =	ssettm $0x1  }
0x92: {  	s4 =	sld [smem:$0x3FFB];
	_ =	sdelay $0x3  }
0x93: {  	_ =	strace s4  }
0x94: {  	s4 =	sld [smem:$0x3FFC];
	_ =	sdelay $0x3  }
0x95: {  	_ =	strace s4  }
0x96: {  	s4 =	sld [smem:$0x3FFD];
	_ =	sdelay $0x3  }
0x97: {  	_ =	strace s4  }
0x98: {  	_ =	strace $0x8FFFFFFF  }
0x99: {  	s19 =	sld [smem:$0x3FDB];
	_ =	sdelay $0x1  }
0x9a: {  	s5 =	simm.s32 $_scs_section_size  }
0x9b: {  	s6 =	simm.s32 $_size__tile_overlayer_lowered;
	s7 =	simm.s32 $_tile_overlayer_lowered  }
0x9c: {  	s22 =	simm.s32 $0x1BFF;
	s21 =	sshll.u32 s7, $0x1;
	s4 =	sadd.s32 s5, s19  }
0x9d: {  	s8 =	simm.s32 $0x0;
	s20 =	sshll.u32 s6, $0x1;
	s6 =	sadd.s32 s21, s4  }
0x9e: {  	[timem:s8], [sflag:s22] =	dma.local [hbm:s6], s20  }
0x9f: {  	_ =	swait.ge [sflag:s22], s20  }
0xa0: {  	s5 =	ssub.s32 $0x0, s20;
	[sflag:s22] =	ssyncset.done $0x0  }
0xa1: {  	[sflag:s22] =	ssyncadd.s32 s5;
	_ =	sdelay $0x1  }
0xa2: {  	s23 =	simm.s32 $0x1B8B  }
0xa3: {  	_ =	swait.ge [sflag:s23], $0x1  }
0xa4: {  	[sflag:s23] =	ssyncset.done $0x0  }
0xa5: {  	s25 =	simm.s32 $0x1B8E;
	s24 =	sld [smem:$0x3FFE];
	[sflag:s23] =	ssyncadd.s32 $0xFFFFFFFF  }
0xa6: {  	s26 =	simm.s32 $execute0_lowered;
	[smem:$0x3FD2] =	sst s25  }
0xa7: {  	s6 =	sshll.u32 s26, $0x1;
	_ =	strace $0x80000046;
	[dreg:$0x1] =	wrdreg $0xFFFFFFFF  }
0xa8: {  	s28 =	simm.s32 $_size_execute0_lowered;
	s4 =	sadd.s32 s4, s6;
	[dreg:$0x0] =	wrdreg $0x0  }
0xa9: {  	s6 =	sshll.u32 s28, $0x1;
	[dreg:$0x2] =	wrdreg s4  }
0xaa: {  	[dreg:$0x3] =	wrdreg s6  }
0xab: {  	[dreg:$0x4] =	wrdreg $0xC0  }
0xac: {  	_ =	task [dreg:s8], $0x5FFFF  }
0xad: {  	[dreg:$0x1] =	wrdreg $0xFFFFFFFF  }
0xae: {  	[dreg:$0x0] =	wrdreg $0x60  }
0xaf: {  	[dreg:$0x2] =	wrdreg s2  }
0xb0: {  	[dreg:$0x3] =	wrdreg s18  }
0xb1: {  	[dreg:$0x4] =	wrdreg s24  }
0xb2: {  	[dreg:$0x5] =	wrdreg $0x9  }
0xb3: {  	_ =	task.clear_ibuf [dreg:s8], $0x6FFFF;
	_ =	strace $0x90000046  }
0xb4: {  	s29 =	simm.s32 $0x9;
	_ =	strace $0x80000048  }
0xb5: {  	_ =	swait.ge [sflag:s29], $0x1  }
0xb6: {  	[sflag:s29] =	ssyncadd.s32 $0xFFFFFFFF  }
0xb7: {  	_ =	strace $0x90000048  }
0xb8: {  	_ =	sfence  }
0xb9: {  	s30 =	sld [smem:$0x0];
	_ =	sdelay $0x2  }
0xba: {  	s31 =	sshll.u32 s1, $0xD;
	s1 =	sshrl.u32 s1, $0x2  }
0xbb: {  	s3 =	sand.u32 $0x4000, s31;
	s1 =	sadd.s32 s1, s30  }
0xbc: {  	s0 =	sor.u32 s3, s0;
	s1 =	sshll.u32 s1, $0x11  }
0xbd: {  	s0 =	sor.u32 s1, s0  }
0xbe: {  	s0 =	sadd.s32 $0x8F2B, s0  }
0xbf: {  	[sflag:s0] =	ssyncadd.remote.s32 $0x1  }
0xc0: {  	_ =	sfence.sel $0xFFFF  }
0xc1: {  	[dreg:$0x0] =	wrdreg $0xFFFFFFFF;
	(pc) =	sbr.abs _section_cstart, $3  }
0xc2: {  	[dreg:$0x1] =	wrdreg $0xFFFFFFFF  }
0xc3: {  	_ =	task.clear_ibuf [dreg:s8], $0x2FFFF;
	_ =	strace $0x9FFFFFFF  }
0xc4: {  	(tm) =	ssettm $0x7FFFFFFF  }
0xc5: {  	_ =	shalt  }
tec
execute0_lowered:
.L_overlay_start_1:
0x0: {  	(tag) =	ssettag $0x1  }
0x1: {  	s4 =	rddreg [dreg:$0x0]  }
0x2: {  	s1 =	rddreg [dreg:$0x1]  }
0x3: {  	s5 =	rddreg [dreg:$0x2];
	s2 =	srdreg.scid  }
0x4: {  	s0 =	rddreg [dreg:$0x3];
	s3 =	simm.s32 $0x0;
	s10 =	simm.s32 $0x0  }
0x5: {  	s6 =	sand.u32 $0x1, s2;
	[smem:$0x7FF] =	sst s3;
	s2 =	stileid.u32  }
0x6: {  	s7 =	ssub.s32 $0x2, s6;
	_ =	strace $0x80000047;
	s8 =	sshll.u32 s2, $0xC  }
0x7: {  	s30 =	sshll.u32 s2, $0x11;
	s31 =	sshll.u32 s6, $0xB;
	s6 =	sshll.u32 s6, $0x10  }
0x8: {  	s9 =	sshrl.u32 s7, $0x1;
	s5 =	sadd.s32 s8, s5;
	s8 =	sadd.s32 s30, s4  }
0x9: {  	s7 =	ssub.s32 s7, s9;
	s5 =	sadd.s32 s31, s5;
	s6 =	sadd.s32 s6, s8  }
0xa: {  	s8 =	simm.s32 $0x1;
	s9 =	simm.s32 $0x8000;
	s4 =	smax.u32 s7, $0x1  }
0xb: {  	s5 =	sadd.s32 $0x600, s5;
	s6 =	sadd.s32 $0x600000, s6;
	s7 =	simm.s32 $0x8400  }
.LBB2_1:
0xc: {  	[tilespmem:s7], [sflag:$0x1] =	stream.linear.gather [hbm4b:s1+s3], $0x80, $0x38;
	[tilespmem:$0x8480] =	vst v63  }
0xd: {  	_ =	swait.ge [sflag:s8], $0x80  }
0xe: {  	[sflag:s8] =	ssyncset.done $0x0  }
0xf: {  	s11 =	smov.u32 s6;
	s12 =	simm.s32 $0x0;
	[sflag:s8] =	ssyncadd.s32 $0xFFFFFF80  }
.LBB2_2:
0x10: {  	[tilespmem:s3], [sflag:$0x1] =	stream.linear.gather [hbm4b:s11+s3], $0x8000, $0x38;
	[tilespmem:$0x8480] =	vst v63  }
0x11: {  	_ =	swait.ge [sflag:s8], $0x8000  }
0x12: {  	[sflag:s8] =	ssyncset.done $0x0  }
0x13: {  	[sflag:s8] =	ssyncadd.s32 $0xFFFF8000  }
0x14: {  	v0 =	vld [tilespmem:$0x8400];
	_ =	sdelay $0x4  }
0x15: {  	v1 =	vshll.u32 v0, $0x3  }
0x16: {  	v2 =	vld [tilespmem:$0x8410];
	v0 =	vand.u32 $0x7F, v0;
	v1 =	vand.u32 $0xFFFFFC00, v1  }
0x17: {  	v0 =	vor.u32 v0, v1;
	_ =	sdelay $0x3  }
0x18: {  	v57 =	vld [tilespmem:$0x8420];
	v56 =	vshll.u32 v2, $0x3  }
0x19: {  	v2 =	vand.u32 $0x7F, v2;
	v1 =	vand.u32 $0xFFFFFC00, v56;
	v0 =	vld.idx.msk [tilespmem:v0+s3+$0x0], $0xffff  }
0x1a: {  	v1 =	vor.u32 v2, v1;
	_ =	sdelay $0x3  }
0x1b: {  	v3 =	vld [tilespmem:$0x8430];
	v58 =	vshll.u32 v57, $0x3;
	[tilespmem:$0x8000] =	vst v0  }
0x1c: {  	v2 =	vand.u32 $0x7F, v57;
	v0 =	vld.idx.msk [tilespmem:v1+s3+$0x0], $0xffff;
	v1 =	vand.u32 $0xFFFFFC00, v58  }
0x1d: {  	v1 =	vor.u32 v2, v1;
	_ =	sdelay $0x3  }
0x1e: {  	v61 =	vld [tilespmem:$0x8440];
	v59 =	vshll.u32 v3, $0x3;
	[tilespmem:$0x8010] =	vst v0  }
0x1f: {  	v60 =	vand.u32 $0x7F, v3;
	v0 =	vand.u32 $0xFFFFFC00, v59;
	v1 =	vld.idx.msk [tilespmem:v1+s3+$0x0], $0xffff  }
0x20: {  	v0 =	vor.u32 v60, v0;
	_ =	sdelay $0x3  }
0x21: {  	v63 =	vld [tilespmem:$0x8450];
	v62 =	vshll.u32 v61, $0x3;
	[tilespmem:$0x8020] =	vst v1  }
0x22: {  	v2 =	vand.u32 $0x7F, v61;
	v1 =	vand.u32 $0xFFFFFC00, v62;
	v0 =	vld.idx.msk [tilespmem:v0+s3+$0x0], $0xffff  }
0x23: {  	v1 =	vor.u32 v2, v1;
	_ =	sdelay $0x3  }
0x24: {  	v8 =	vld [tilespmem:$0x8460];
	v6 =	vshll.u32 v63, $0x3;
	[tilespmem:$0x8030] =	vst v0  }
0x25: {  	v7 =	vand.u32 $0x7F, v63;
	v0 =	vand.u32 $0xFFFFFC00, v6;
	v1 =	vld.idx.msk [tilespmem:v1+s3+$0x0], $0xffff  }
0x26: {  	v0 =	vor.u32 v7, v0;
	_ =	sdelay $0x3  }
0x27: {  	v10 =	vld [tilespmem:$0x8470];
	v9 =	vshll.u32 v8, $0x3;
	[tilespmem:$0x8040] =	vst v1  }
0x28: {  	v2 =	vand.u32 $0x7F, v8;
	v1 =	vand.u32 $0xFFFFFC00, v9;
	v0 =	vld.idx.msk [tilespmem:v0+s3+$0x0], $0xffff  }
0x29: {  	v1 =	vor.u32 v2, v1;
	_ =	sdelay $0x3  }
0x2a: {  	v12 =	vld [tilespmem:$0x8400];
	v11 =	vshll.u32 v10, $0x3;
	[tilespmem:$0x8050] =	vst v0  }
0x2b: {  	v3 =	vand.u32 $0x7F, v10;
	v0 =	vand.u32 $0xFFFFFC00, v11;
	v1 =	vld.idx.msk [tilespmem:v1+s3+$0x0], $0xffff  }
0x2c: {  	v0 =	vor.u32 v3, v0;
	_ =	sdelay $0x2  }
0x2d: {  	v13 =	vshll.u32 v12, $0x3  }
0x2e: {  	v16 =	vld [tilespmem:$0x8410];
	v14 =	vand.u32 $0x7F, v12;
	v15 =	vand.u32 $0xFFFFFC00, v13;
	[tilespmem:$0x8060] =	vst v1  }
0x2f: {  	v1 =	vor.u32 v15, v14;
	v0 =	vld.idx.msk [tilespmem:v0+s3+$0x0], $0xffff  }
0x30: {  	v1 =	vor.u32 $0x80, v1;
	_ =	sdelay $0x2  }
0x31: {  	v17 =	vshll.u32 v16, $0x3  }
0x32: {  	v19 =	vld [tilespmem:$0x8420];
	v18 =	vand.u32 $0x7F, v16;
	v2 =	vand.u32 $0xFFFFFC00, v17;
	[tilespmem:$0x8070] =	vst v0  }
0x33: {  	v0 =	vor.u32 v2, v18;
	v1 =	vld.idx.msk [tilespmem:v1+s3+$0x0], $0xffff  }
0x34: {  	v0 =	vor.u32 $0x80, v0;
	_ =	sdelay $0x2  }
0x35: {  	v20 =	vshll.u32 v19, $0x3  }
0x36: {  	v22 =	vld [tilespmem:$0x8430];
	v21 =	vand.u32 $0x7F, v19;
	v2 =	vand.u32 $0xFFFFFC00, v20;
	[tilespmem:$0x8080] =	vst v1  }
0x37: {  	v1 =	vor.u32 v2, v21;
	v0 =	vld.idx.msk [tilespmem:v0+s3+$0x0], $0xffff  }
0x38: {  	v1 =	vor.u32 $0x80, v1;
	_ =	sdelay $0x2  }
0x39: {  	v23 =	vshll.u32 v22, $0x3  }
0x3a: {  	v25 =	vld [tilespmem:$0x8440];
	v24 =	vand.u32 $0x7F, v22;
	v2 =	vand.u32 $0xFFFFFC00, v23;
	[tilespmem:$0x8090] =	vst v0  }
0x3b: {  	v0 =	vor.u32 v2, v24;
	v1 =	vld.idx.msk [tilespmem:v1+s3+$0x0], $0xffff  }
0x3c: {  	v0 =	vor.u32 $0x80, v0;
	_ =	sdelay $0x2  }
0x3d: {  	v26 =	vshll.u32 v25, $0x3  }
0x3e: {  	v28 =	vld [tilespmem:$0x8450];
	v27 =	vand.u32 $0x7F, v25;
	v2 =	vand.u32 $0xFFFFFC00, v26;
	[tilespmem:$0x80A0] =	vst v1  }
0x3f: {  	v1 =	vor.u32 v2, v27;
	v0 =	vld.idx.msk [tilespmem:v0+s3+$0x0], $0xffff  }
0x40: {  	v1 =	vor.u32 $0x80, v1;
	_ =	sdelay $0x2  }
0x41: {  	v29 =	vshll.u32 v28, $0x3  }
0x42: {  	v31 =	vld [tilespmem:$0x8460];
	v30 =	vand.u32 $0x7F, v28;
	v2 =	vand.u32 $0xFFFFFC00, v29;
	[tilespmem:$0x80B0] =	vst v0  }
0x43: {  	v0 =	vor.u32 v2, v30;
	v1 =	vld.idx.msk [tilespmem:v1+s3+$0x0], $0xffff  }
0x44: {  	v0 =	vor.u32 $0x80, v0;
	_ =	sdelay $0x2  }
0x45: {  	v32 =	vshll.u32 v31, $0x3  }
0x46: {  	v34 =	vld [tilespmem:$0x8470];
	v33 =	vand.u32 $0x7F, v31;
	v2 =	vand.u32 $0xFFFFFC00, v32;
	[tilespmem:$0x80C0] =	vst v1  }
0x47: {  	v1 =	vor.u32 v2, v33;
	v0 =	vld.idx.msk [tilespmem:v0+s3+$0x0], $0xffff  }
0x48: {  	v1 =	vor.u32 $0x80, v1;
	_ =	sdelay $0x2  }
0x49: {  	v35 =	vshll.u32 v34, $0x3  }
0x4a: {  	v37 =	vld [tilespmem:$0x8400];
	v36 =	vand.u32 $0x7F, v34;
	v2 =	vand.u32 $0xFFFFFC00, v35;
	[tilespmem:$0x80D0] =	vst v0  }
0x4b: {  	v0 =	vor.u32 v2, v36;
	v1 =	vld.idx.msk [tilespmem:v1+s3+$0x0], $0xffff  }
0x4c: {  	v0 =	vor.u32 $0x80, v0;
	_ =	sdelay $0x2  }
0x4d: {  	v38 =	vshll.u32 v37, $0x3  }
0x4e: {  	v40 =	vld [tilespmem:$0x8410];
	v39 =	vand.u32 $0x7F, v37;
	v2 =	vand.u32 $0xFFFFFC00, v38;
	[tilespmem:$0x80E0] =	vst v1  }
0x4f: {  	v1 =	vor.u32 v2, v39;
	v0 =	vld.idx.msk [tilespmem:v0+s3+$0x0], $0xffff  }
0x50: {  	v1 =	vor.u32 $0x100, v1;
	_ =	sdelay $0x2  }
0x51: {  	v41 =	vshll.u32 v40, $0x3  }
0x52: {  	v43 =	vld [tilespmem:$0x8420];
	v42 =	vand.u32 $0x7F, v40;
	v2 =	vand.u32 $0xFFFFFC00, v41;
	[tilespmem:$0x80F0] =	vst v0  }
0x53: {  	v0 =	vor.u32 v2, v42;
	v1 =	vld.idx.msk [tilespmem:v1+s3+$0x0], $0xffff  }
0x54: {  	v0 =	vor.u32 $0x100, v0;
	_ =	sdelay $0x2  }
0x55: {  	v44 =	vshll.u32 v43, $0x3  }
0x56: {  	v46 =	vld [tilespmem:$0x8430];
	v45 =	vand.u32 $0x7F, v43;
	v2 =	vand.u32 $0xFFFFFC00, v44;
	[tilespmem:$0x8100] =	vst v1  }
0x57: {  	v1 =	vor.u32 v2, v45;
	v0 =	vld.idx.msk [tilespmem:v0+s3+$0x0], $0xffff  }
0x58: {  	v1 =	vor.u32 $0x100, v1;
	_ =	sdelay $0x2  }
0x59: {  	v47 =	vshll.u32 v46, $0x3  }
0x5a: {  	v49 =	vld [tilespmem:$0x8440];
	v48 =	vand.u32 $0x7F, v46;
	v2 =	vand.u32 $0xFFFFFC00, v47;
	[tilespmem:$0x8110] =	vst v0  }
0x5b: {  	v0 =	vor.u32 v2, v48;
	v1 =	vld.idx.msk [tilespmem:v1+s3+$0x0], $0xffff  }
0x5c: {  	v0 =	vor.u32 $0x100, v0;
	_ =	sdelay $0x2  }
0x5d: {  	v50 =	vshll.u32 v49, $0x3  }
0x5e: {  	v52 =	vld [tilespmem:$0x8450];
	v51 =	vand.u32 $0x7F, v49;
	v2 =	vand.u32 $0xFFFFFC00, v50;
	[tilespmem:$0x8120] =	vst v1  }
0x5f: {  	v1 =	vor.u32 v2, v51;
	v0 =	vld.idx.msk [tilespmem:v0+s3+$0x0], $0xffff  }
0x60: {  	v1 =	vor.u32 $0x100, v1;
	_ =	sdelay $0x2  }
0x61: {  	v53 =	vshll.u32 v52, $0x3  }
0x62: {  	v55 =	vld [tilespmem:$0x8460];
	v54 =	vand.u32 $0x7F, v52;
	v2 =	vand.u32 $0xFFFFFC00, v53;
	[tilespmem:$0x8130] =	vst v0  }
0x63: {  	v0 =	vor.u32 v2, v54;
	v1 =	vld.idx.msk [tilespmem:v1+s3+$0x0], $0xffff  }
0x64: {  	v0 =	vor.u32 $0x100, v0;
	_ =	sdelay $0x2  }
0x65: {  	v56 =	vshll.u32 v55, $0x3  }
0x66: {  	v57 =	vand.u32 $0x7F, v55;
	v58 =	vld [tilespmem:$0x8470];
	v2 =	vand.u32 $0xFFFFFC00, v56;
	[tilespmem:$0x8140] =	vst v1  }
0x67: {  	v1 =	vor.u32 v2, v57;
	v0 =	vld.idx.msk [tilespmem:v0+s3+$0x0], $0xffff  }
0x68: {  	v1 =	vor.u32 $0x100, v1;
	_ =	sdelay $0x2  }
0x69: {  	v59 =	vshll.u32 v58, $0x3  }
0x6a: {  	v61 =	vld [tilespmem:$0x8400];
	v60 =	vand.u32 $0x7F, v58;
	v2 =	vand.u32 $0xFFFFFC00, v59;
	[tilespmem:$0x8150] =	vst v0  }
0x6b: {  	v0 =	vor.u32 v2, v60;
	v1 =	vld.idx.msk [tilespmem:v1+s3+$0x0], $0xffff  }
0x6c: {  	v0 =	vor.u32 $0x100, v0;
	_ =	sdelay $0x2  }
0x6d: {  	v62 =	vshll.u32 v61, $0x3  }
0x6e: {  	v63 =	vand.u32 $0x7F, v61;
	v6 =	vld [tilespmem:$0x8410];
	v2 =	vand.u32 $0xFFFFFC00, v62;
	[tilespmem:$0x8160] =	vst v1  }
0x6f: {  	v1 =	vor.u32 v2, v63;
	v0 =	vld.idx.msk [tilespmem:v0+s3+$0x0], $0xffff  }
0x70: {  	v1 =	vor.u32 $0x180, v1;
	_ =	sdelay $0x2  }
0x71: {  	v7 =	vshll.u32 v6, $0x3  }
0x72: {  	v8 =	vand.u32 $0x7F, v6;
	v9 =	vld [tilespmem:$0x8420];
	v2 =	vand.u32 $0xFFFFFC00, v7;
	[tilespmem:$0x8170] =	vst v0  }
0x73: {  	v0 =	vor.u32 v2, v8;
	v1 =	vld.idx.msk [tilespmem:v1+s3+$0x0], $0xffff  }
0x74: {  	v0 =	vor.u32 $0x180, v0;
	_ =	sdelay $0x2  }
0x75: {  	v10 =	vshll.u32 v9, $0x3  }
0x76: {  	v12 =	vld [tilespmem:$0x8430];
	v11 =	vand.u32 $0x7F, v9;
	v2 =	vand.u32 $0xFFFFFC00, v10;
	[tilespmem:$0x8180] =	vst v1  }
0x77: {  	v1 =	vor.u32 v2, v11;
	v0 =	vld.idx.msk [tilespmem:v0+s3+$0x0], $0xffff  }
0x78: {  	v1 =	vor.u32 $0x180, v1;
	_ =	sdelay $0x2  }
0x79: {  	v13 =	vshll.u32 v12, $0x3  }
0x7a: {  	v14 =	vand.u32 $0x7F, v12;
	v15 =	vld [tilespmem:$0x8440];
	v2 =	vand.u32 $0xFFFFFC00, v13;
	[tilespmem:$0x8190] =	vst v0  }
0x7b: {  	v0 =	vor.u32 v2, v14;
	v1 =	vld.idx.msk [tilespmem:v1+s3+$0x0], $0xffff  }
0x7c: {  	v0 =	vor.u32 $0x180, v0;
	_ =	sdelay $0x2  }
0x7d: {  	v16 =	vshll.u32 v15, $0x3  }
0x7e: {  	v17 =	vand.u32 $0x7F, v15;
	v18 =	vld [tilespmem:$0x8450];
	v2 =	vand.u32 $0xFFFFFC00, v16;
	[tilespmem:$0x81A0] =	vst v1  }
0x7f: {  	v1 =	vor.u32 v2, v17;
	v0 =	vld.idx.msk [tilespmem:v0+s3+$0x0], $0xffff  }
0x80: {  	v1 =	vor.u32 $0x180, v1;
	_ =	sdelay $0x2  }
0x81: {  	v19 =	vshll.u32 v18, $0x3  }
0x82: {  	v20 =	vand.u32 $0x7F, v18;
	v21 =	vld [tilespmem:$0x8460];
	v2 =	vand.u32 $0xFFFFFC00, v19;
	[tilespmem:$0x81B0] =	vst v0  }
0x83: {  	v0 =	vor.u32 v2, v20;
	v1 =	vld.idx.msk [tilespmem:v1+s3+$0x0], $0xffff  }
0x84: {  	v0 =	vor.u32 $0x180, v0;
	_ =	sdelay $0x2  }
0x85: {  	v22 =	vshll.u32 v21, $0x3  }
0x86: {  	v23 =	vand.u32 $0x7F, v21;
	v24 =	vld [tilespmem:$0x8470];
	v2 =	vand.u32 $0xFFFFFC00, v22;
	[tilespmem:$0x81C0] =	vst v1  }
0x87: {  	v1 =	vor.u32 v2, v23;
	v0 =	vld.idx.msk [tilespmem:v0+s3+$0x0], $0xffff  }
0x88: {  	v1 =	vor.u32 $0x180, v1;
	_ =	sdelay $0x2  }
0x89: {  	v25 =	vshll.u32 v24, $0x3  }
0x8a: {  	v26 =	vand.u32 $0x7F, v24;
	v27 =	vld [tilespmem:$0x8400];
	v2 =	vand.u32 $0xFFFFFC00, v25;
	[tilespmem:$0x81D0] =	vst v0  }
0x8b: {  	v0 =	vor.u32 v2, v26;
	v1 =	vld.idx.msk [tilespmem:v1+s3+$0x0], $0xffff  }
0x8c: {  	v0 =	vor.u32 $0x180, v0;
	_ =	sdelay $0x2  }
0x8d: {  	v28 =	vshll.u32 v27, $0x3  }
0x8e: {  	v29 =	vand.u32 $0x7F, v27;
	v30 =	vld [tilespmem:$0x8410];
	v2 =	vand.u32 $0xFFFFFC00, v28;
	[tilespmem:$0x81E0] =	vst v1  }
0x8f: {  	v1 =	vor.u32 v2, v29;
	v0 =	vld.idx.msk [tilespmem:v0+s3+$0x0], $0xffff  }
0x90: {  	v1 =	vor.u32 $0x200, v1;
	_ =	sdelay $0x2  }
0x91: {  	v31 =	vshll.u32 v30, $0x3  }
0x92: {  	v32 =	vand.u32 $0x7F, v30;
	v33 =	vld [tilespmem:$0x8420];
	v2 =	vand.u32 $0xFFFFFC00, v31;
	[tilespmem:$0x81F0] =	vst v0  }
0x93: {  	v0 =	vor.u32 v2, v32;
	v1 =	vld.idx.msk [tilespmem:v1+s3+$0x0], $0xffff  }
0x94: {  	v0 =	vor.u32 $0x200, v0;
	_ =	sdelay $0x2  }
0x95: {  	v34 =	vshll.u32 v33, $0x3  }
0x96: {  	v35 =	vand.u32 $0x7F, v33;
	v36 =	vld [tilespmem:$0x8430];
	v2 =	vand.u32 $0xFFFFFC00, v34;
	[tilespmem:$0x8200] =	vst v1  }
0x97: {  	v1 =	vor.u32 v2, v35;
	v0 =	vld.idx.msk [tilespmem:v0+s3+$0x0], $0xffff  }
0x98: {  	v1 =	vor.u32 $0x200, v1;
	_ =	sdelay $0x2  }
0x99: {  	v37 =	vshll.u32 v36, $0x3  }
0x9a: {  	v38 =	vand.u32 $0x7F, v36;
	v39 =	vld [tilespmem:$0x8440];
	v2 =	vand.u32 $0xFFFFFC00, v37;
	[tilespmem:$0x8210] =	vst v0  }
0x9b: {  	v0 =	vor.u32 v2, v38;
	v1 =	vld.idx.msk [tilespmem:v1+s3+$0x0], $0xffff  }
0x9c: {  	v0 =	vor.u32 $0x200, v0;
	_ =	sdelay $0x2  }
0x9d: {  	v40 =	vshll.u32 v39, $0x3  }
0x9e: {  	v41 =	vand.u32 $0x7F, v39;
	v42 =	vld [tilespmem:$0x8450];
	v2 =	vand.u32 $0xFFFFFC00, v40;
	[tilespmem:$0x8220] =	vst v1  }
0x9f: {  	v1 =	vor.u32 v2, v41;
	v0 =	vld.idx.msk [tilespmem:v0+s3+$0x0], $0xffff  }
0xa0: {  	v1 =	vor.u32 $0x200, v1;
	_ =	sdelay $0x2  }
0xa1: {  	v43 =	vshll.u32 v42, $0x3  }
0xa2: {  	v44 =	vand.u32 $0x7F, v42;
	v45 =	vld [tilespmem:$0x8460];
	v2 =	vand.u32 $0xFFFFFC00, v43;
	[tilespmem:$0x8230] =	vst v0  }
0xa3: {  	v0 =	vor.u32 v2, v44;
	v1 =	vld.idx.msk [tilespmem:v1+s3+$0x0], $0xffff  }
0xa4: {  	v0 =	vor.u32 $0x200, v0;
	_ =	sdelay $0x2  }
0xa5: {  	v46 =	vshll.u32 v45, $0x3  }
0xa6: {  	v47 =	vand.u32 $0x7F, v45;
	v48 =	vld [tilespmem:$0x8470];
	v2 =	vand.u32 $0xFFFFFC00, v46;
	[tilespmem:$0x8240] =	vst v1  }
0xa7: {  	v1 =	vor.u32 v2, v47;
	v0 =	vld.idx.msk [tilespmem:v0+s3+$0x0], $0xffff  }
0xa8: {  	v1 =	vor.u32 $0x200, v1;
	_ =	sdelay $0x2  }
0xa9: {  	v49 =	vshll.u32 v48, $0x3  }
0xaa: {  	v50 =	vand.u32 $0x7F, v48;
	v51 =	vld [tilespmem:$0x8400];
	v2 =	vand.u32 $0xFFFFFC00, v49;
	[tilespmem:$0x8250] =	vst v0  }
0xab: {  	v0 =	vor.u32 v2, v50;
	v1 =	vld.idx.msk [tilespmem:v1+s3+$0x0], $0xffff  }
0xac: {  	v0 =	vor.u32 $0x200, v0;
	_ =	sdelay $0x2  }
0xad: {  	v52 =	vshll.u32 v51, $0x3  }
0xae: {  	v53 =	vand.u32 $0x7F, v51;
	v54 =	vld [tilespmem:$0x8410];
	v2 =	vand.u32 $0xFFFFFC00, v52;
	[tilespmem:$0x8260] =	vst v1  }
0xaf: {  	v1 =	vor.u32 v2, v53;
	v0 =	vld.idx.msk [tilespmem:v0+s3+$0x0], $0xffff  }
0xb0: {  	v1 =	vor.u32 $0x280, v1;
	_ =	sdelay $0x2  }
0xb1: {  	v55 =	vshll.u32 v54, $0x3  }
0xb2: {  	v56 =	vand.u32 $0x7F, v54;
	v57 =	vld [tilespmem:$0x8420];
	v2 =	vand.u32 $0xFFFFFC00, v55;
	[tilespmem:$0x8270] =	vst v0  }
0xb3: {  	v0 =	vor.u32 v2, v56;
	v1 =	vld.idx.msk [tilespmem:v1+s3+$0x0], $0xffff  }
0xb4: {  	v0 =	vor.u32 $0x280, v0;
	_ =	sdelay $0x2  }
0xb5: {  	v58 =	vshll.u32 v57, $0x3  }
0xb6: {  	v59 =	vand.u32 $0x7F, v57;
	v60 =	vld [tilespmem:$0x8430];
	v2 =	vand.u32 $0xFFFFFC00, v58;
	[tilespmem:$0x8280] =	vst v1  }
0xb7: {  	v1 =	vor.u32 v2, v59;
	v0 =	vld.idx.msk [tilespmem:v0+s3+$0x0], $0xffff  }
0xb8: {  	v1 =	vor.u32 $0x280, v1;
	_ =	sdelay $0x2  }
0xb9: {  	v61 =	vshll.u32 v60, $0x3  }
0xba: {  	v62 =	vand.u32 $0x7F, v60;
	v63 =	vld [tilespmem:$0x8440];
	v2 =	vand.u32 $0xFFFFFC00, v61;
	[tilespmem:$0x8290] =	vst v0  }
0xbb: {  	v0 =	vor.u32 v2, v62;
	v1 =	vld.idx.msk [tilespmem:v1+s3+$0x0], $0xffff  }
0xbc: {  	v0 =	vor.u32 $0x280, v0;
	_ =	sdelay $0x2  }
0xbd: {  	v5 =	vshll.u32 v63, $0x3  }
0xbe: {  	v7 =	vld [tilespmem:$0x8450];
	v6 =	vand.u32 $0x7F, v63;
	v2 =	vand.u32 $0xFFFFFC00, v5;
	[tilespmem:$0x82A0] =	vst v1  }
0xbf: {  	v1 =	vor.u32 v2, v6;
	v0 =	vld.idx.msk [tilespmem:v0+s3+$0x0], $0xffff  }
0xc0: {  	v1 =	vor.u32 $0x280, v1;
	_ =	sdelay $0x2  }
0xc1: {  	v8 =	vshll.u32 v7, $0x3  }
0xc2: {  	v9 =	vand.u32 $0x7F, v7;
	v10 =	vld [tilespmem:$0x8460];
	v2 =	vand.u32 $0xFFFFFC00, v8;
	[tilespmem:$0x82B0] =	vst v0  }
0xc3: {  	v0 =	vor.u32 v2, v9;
	v1 =	vld.idx.msk [tilespmem:v1+s3+$0x0], $0xffff  }
0xc4: {  	v0 =	vor.u32 $0x280, v0;
	_ =	sdelay $0x2  }
0xc5: {  	v11 =	vshll.u32 v10, $0x3  }
0xc6: {  	v12 =	vand.u32 $0x7F, v10;
	v13 =	vld [tilespmem:$0x8470];
	v2 =	vand.u32 $0xFFFFFC00, v11;
	[tilespmem:$0x82C0] =	vst v1  }
0xc7: {  	v1 =	vor.u32 v2, v12;
	v0 =	vld.idx.msk [tilespmem:v0+s3+$0x0], $0xffff  }
0xc8: {  	v1 =	vor.u32 $0x280, v1;
	_ =	sdelay $0x2  }
0xc9: {  	v14 =	vshll.u32 v13, $0x3  }
0xca: {  	v15 =	vand.u32 $0x7F, v13;
	v16 =	vld [tilespmem:$0x8400];
	v2 =	vand.u32 $0xFFFFFC00, v14;
	[tilespmem:$0x82D0] =	vst v0  }
0xcb: {  	v0 =	vor.u32 v2, v15;
	v1 =	vld.idx.msk [tilespmem:v1+s3+$0x0], $0xffff  }
0xcc: {  	v0 =	vor.u32 $0x280, v0;
	_ =	sdelay $0x2  }
0xcd: {  	v17 =	vshll.u32 v16, $0x3  }
0xce: {  	v18 =	vand.u32 $0x7F, v16;
	v19 =	vld [tilespmem:$0x8410];
	v2 =	vand.u32 $0xFFFFFC00, v17;
	[tilespmem:$0x82E0] =	vst v1  }
0xcf: {  	v1 =	vor.u32 v2, v18;
	v0 =	vld.idx.msk [tilespmem:v0+s3+$0x0], $0xffff  }
0xd0: {  	v1 =	vor.u32 $0x300, v1;
	_ =	sdelay $0x2  }
0xd1: {  	v20 =	vshll.u32 v19, $0x3  }
0xd2: {  	v21 =	vand.u32 $0x7F, v19;
	v22 =	vld [tilespmem:$0x8420];
	v2 =	vand.u32 $0xFFFFFC00, v20;
	[tilespmem:$0x82F0] =	vst v0  }
0xd3: {  	v0 =	vor.u32 v2, v21;
	v1 =	vld.idx.msk [tilespmem:v1+s3+$0x0], $0xffff  }
0xd4: {  	v0 =	vor.u32 $0x300, v0;
	_ =	sdelay $0x2  }
0xd5: {  	v23 =	vshll.u32 v22, $0x3  }
0xd6: {  	v24 =	vand.u32 $0x7F, v22;
	v25 =	vld [tilespmem:$0x8430];
	v2 =	vand.u32 $0xFFFFFC00, v23;
	[tilespmem:$0x8300] =	vst v1  }
0xd7: {  	v1 =	vor.u32 v2, v24;
	v0 =	vld.idx.msk [tilespmem:v0+s3+$0x0], $0xffff  }
0xd8: {  	v1 =	vor.u32 $0x300, v1;
	_ =	sdelay $0x2  }
0xd9: {  	v26 =	vshll.u32 v25, $0x3  }
0xda: {  	v27 =	vand.u32 $0x7F, v25;
	v28 =	vld [tilespmem:$0x8440];
	v2 =	vand.u32 $0xFFFFFC00, v26;
	[tilespmem:$0x8310] =	vst v0  }
0xdb: {  	v0 =	vor.u32 v2, v27;
	v1 =	vld.idx.msk [tilespmem:v1+s3+$0x0], $0xffff  }
0xdc: {  	v0 =	vor.u32 $0x300, v0;
	_ =	sdelay $0x2  }
0xdd: {  	v29 =	vshll.u32 v28, $0x3  }
0xde: {  	v30 =	vand.u32 $0x7F, v28;
	v31 =	vld [tilespmem:$0x8450];
	v2 =	vand.u32 $0xFFFFFC00, v29;
	[tilespmem:$0x8320] =	vst v1  }
0xdf: {  	v1 =	vor.u32 v2, v30;
	v0 =	vld.idx.msk [tilespmem:v0+s3+$0x0], $0xffff  }
0xe0: {  	v1 =	vor.u32 $0x300, v1;
	_ =	sdelay $0x2  }
0xe1: {  	v32 =	vshll.u32 v31, $0x3  }
0xe2: {  	v33 =	vand.u32 $0x7F, v31;
	v34 =	vld [tilespmem:$0x8460];
	v2 =	vand.u32 $0xFFFFFC00, v32;
	[tilespmem:$0x8330] =	vst v0  }
0xe3: {  	v0 =	vor.u32 v2, v33;
	v1 =	vld.idx.msk [tilespmem:v1+s3+$0x0], $0xffff  }
0xe4: {  	v0 =	vor.u32 $0x300, v0;
	_ =	sdelay $0x2  }
0xe5: {  	v35 =	vshll.u32 v34, $0x3  }
0xe6: {  	v36 =	vand.u32 $0x7F, v34;
	v37 =	vld [tilespmem:$0x8470];
	v2 =	vand.u32 $0xFFFFFC00, v35;
	[tilespmem:$0x8340] =	vst v1  }
0xe7: {  	v1 =	vor.u32 v2, v36;
	v0 =	vld.idx.msk [tilespmem:v0+s3+$0x0], $0xffff  }
0xe8: {  	v1 =	vor.u32 $0x300, v1;
	_ =	sdelay $0x2  }
0xe9: {  	v38 =	vshll.u32 v37, $0x3  }
0xea: {  	v39 =	vand.u32 $0x7F, v37;
	v40 =	vld [tilespmem:$0x8400];
	v2 =	vand.u32 $0xFFFFFC00, v38;
	[tilespmem:$0x8350] =	vst v0  }
0xeb: {  	v0 =	vor.u32 v2, v39;
	v1 =	vld.idx.msk [tilespmem:v1+s3+$0x0], $0xffff  }
0xec: {  	v0 =	vor.u32 $0x300, v0;
	_ =	sdelay $0x2  }
0xed: {  	v41 =	vshll.u32 v40, $0x3  }
0xee: {  	v42 =	vand.u32 $0x7F, v40;
	v43 =	vld [tilespmem:$0x8410];
	v2 =	vand.u32 $0xFFFFFC00, v41;
	[tilespmem:$0x8360] =	vst v1  }
0xef: {  	v1 =	vor.u32 v2, v42;
	v0 =	vld.idx.msk [tilespmem:v0+s3+$0x0], $0xffff  }
0xf0: {  	v1 =	vor.u32 $0x380, v1;
	_ =	sdelay $0x2  }
0xf1: {  	v44 =	vshll.u32 v43, $0x3  }
0xf2: {  	v45 =	vand.u32 $0x7F, v43;
	v46 =	vld [tilespmem:$0x8420];
	v2 =	vand.u32 $0xFFFFFC00, v44;
	[tilespmem:$0x8370] =	vst v0  }
0xf3: {  	v0 =	vor.u32 v2, v45;
	v1 =	vld.idx.msk [tilespmem:v1+s3+$0x0], $0xffff  }
0xf4: {  	v0 =	vor.u32 $0x380, v0;
	_ =	sdelay $0x2  }
0xf5: {  	v47 =	vshll.u32 v46, $0x3  }
0xf6: {  	v48 =	vand.u32 $0x7F, v46;
	v49 =	vld [tilespmem:$0x8430];
	v2 =	vand.u32 $0xFFFFFC00, v47;
	[tilespmem:$0x8380] =	vst v1  }
0xf7: {  	v1 =	vor.u32 v2, v48;
	v0 =	vld.idx.msk [tilespmem:v0+s3+$0x0], $0xffff  }
0xf8: {  	v1 =	vor.u32 $0x380, v1;
	_ =	sdelay $0x2  }
0xf9: {  	v50 =	vshll.u32 v49, $0x3  }
0xfa: {  	v51 =	vand.u32 $0x7F, v49;
	v52 =	vld [tilespmem:$0x8440];
	v2 =	vand.u32 $0xFFFFFC00, v50;
	[tilespmem:$0x8390] =	vst v0  }
0xfb: {  	v0 =	vor.u32 v2, v51;
	v1 =	vld.idx.msk [tilespmem:v1+s3+$0x0], $0xffff  }
0xfc: {  	v0 =	vor.u32 $0x380, v0;
	_ =	sdelay $0x2  }
0xfd: {  	v53 =	vshll.u32 v52, $0x3  }
0xfe: {  	v54 =	vand.u32 $0x7F, v52;
	v55 =	vld [tilespmem:$0x8450];
	v2 =	vand.u32 $0xFFFFFC00, v53;
	[tilespmem:$0x83A0] =	vst v1  }
0xff: {  	v1 =	vor.u32 v2, v54;
	v0 =	vld.idx.msk [tilespmem:v0+s3+$0x0], $0xffff  }
0x100: {  	v1 =	vor.u32 $0x380, v1;
	_ =	sdelay $0x2  }
0x101: {  	v56 =	vshll.u32 v55, $0x3  }
0x102: {  	v57 =	vand.u32 $0x7F, v55;
	v58 =	vld [tilespmem:$0x8460];
	v2 =	vand.u32 $0xFFFFFC00, v56;
	[tilespmem:$0x83B0] =	vst v0  }
0x103: {  	v0 =	vor.u32 v2, v57;
	v1 =	vld.idx.msk [tilespmem:v1+s3+$0x0], $0xffff  }
0x104: {  	v0 =	vor.u32 $0x380, v0;
	_ =	sdelay $0x2  }
0x105: {  	v59 =	vshll.u32 v58, $0x3  }
0x106: {  	v60 =	vand.u32 $0x7F, v58;
	v61 =	vld [tilespmem:$0x8470];
	v2 =	vand.u32 $0xFFFFFC00, v59;
	[tilespmem:$0x83C0] =	vst v1  }
0x107: {  	v1 =	vor.u32 v2, v60;
	v0 =	vld.idx.msk [tilespmem:v0+s3+$0x0], $0xffff  }
0x108: {  	v1 =	vor.u32 $0x380, v1;
	_ =	sdelay $0x2  }
0x109: {  	v62 =	vshll.u32 v61, $0x3  }
0x10a: {  	v63 =	vand.u32 $0x7F, v61;
	v2 =	vand.u32 $0xFFFFFC00, v62;
	[tilespmem:$0x83D0] =	vst v0  }
0x10b: {  	v0 =	vor.u32 v2, v63;
	v1 =	vld.idx.msk [tilespmem:v1+s3+$0x0], $0xffff  }
0x10c: {  	v0 =	vor.u32 $0x380, v0;
	_ =	sdelay $0x3  }
0x10d: {  	[tilespmem:$0x83E0] =	vst v1  }
0x10e: {  	v0 =	vld.idx.msk [tilespmem:v0+s3+$0x0], $0xffff;
	_ =	sdelay $0x3  }
0x10f: {  	p0 =	sne.s32 s12, $0x780  }
.Ltmp0:
0x110: {  	s13 =	sadd.s32 s12, s5;
	[tilespmem:$0x83F0] =	vst v0;
	(pc) =	sbr.rel @p0 .LBB2_2-.Ltmp0, $4  }
0x111: {  	[hbm4b:s13+s3] =	stream.linear.scatter [tilespmem:s9], [sflag:$0x1], $0x400, $0x38;
	[tilespmem:$0x8480] =	vst v63  }
0x112: {  	_ =	swait.ge [sflag:s8], $0x400  }
0x113: {  	[sflag:s8] =	ssyncset.done $0x0  }
0x114: {  	s11 =	sadd.s32 $0x1000, s11;
	s12 =	sadd.s32 $0x80, s12;
	[sflag:s8] =	ssyncadd.s32 $0xFFFFFC00  }
0x115: {  	s10 =	sadd.s32 $0x1, s10  }
0x116: {  	p0 =	sne.s32 s10, s4  }
.Ltmp1:
0x117: {  	_ = 	snop;
	(pc) =	sbr.rel @p0 .LBB2_1-.Ltmp1, $1  }
0x118: {  	_ =	sdelay $0x3  }
0x119: {  	_ =	sfence.sel $0x180000  }
0x11a: {  	[bflag:$0x0] =	sbarrier.arrive $0xFFFF  }
0x11b: {  	p0 =	sne.s32 s2, $0x0;
	_ =	strace $0x90000047  }
0x11c: {  	s0 =	sadd.s32 @!p0 $0x100000, s0;
	[bflag:$0x2] =	sbarrier.arrive $0xFFFF  }
0x11d: {  	[sflag:s0] =	ssyncadd.tile.s32 @!p0 $0x1;
	_ =	shalt  }
.Lfunc_end2:
_tile_overlayer_lowered:
.L_overlay_start_2:
0x11e: {  	(tag) =	ssettag $0x2  }
0x11f: {  	s0 =	rddreg [dreg:$0x0];
	s2 =	stileid.u32  }
0x120: {  	s1 =	rddreg [dreg:$0x1];
	p0 =	sne.s32 s2, $0x0  }
0x121: {  	s3 =	rddreg [dreg:$0x2];
	[bflag:$0x3] =	sbarrier.arrive $0xFFFF;
	s2 =	simm.s32 @!p0 $0x1C01  }
0x122: {  	[timem:s3], [sflag:s2] =	dma.local @!p0 [hbm:s0], s1  }
0x123: {  	s0 =	simm.s32 @!p0 $0x1  }
0x124: {  	_ =	swait.ge @!p0 [sflag:s0], s1  }
0x125: {  	s1 =	ssub.s32 @!p0 $0x0, s1;
	[sflag:s0] =	ssyncset.done @!p0 $0x0  }
0x126: {  	[sflag:s0] =	ssyncadd.s32 @!p0 s1  }
0x127: {  	[bflag:$0x3] =	sbarrier.arrive $0xFFFF  }
0x128: {  	_ =	shalt  }

</sc_bundles>
